<compile_context>
chip_gen: v7x
topology: tpu7x:2x2x1
jax: 0.10.2.dev20260603
libtpu: 0.0.44.dev20260713+nightly
codegen_flags: <defaults>
</compile_context>

<pallas_src>
import functools

import jax
import jax.numpy as jnp
from jax import lax
from jax.experimental import pallas as pl
from jax.experimental.pallas import tpu as pltpu
from jax.experimental.pallas import tpu_sc as plsc

N = 10000
E = 160000
D = 128
NB = 4

NC = 2
NS = 16
NW = NC * NS
CHUNK = 128
NCHUNK = E // CHUNK
FULL_T = NCHUNK // NW
ZROWS = 40
BN = 2000
N_PAD = 10112
ROWS_PER_SUB = N_PAD // NS
P1OFF = 12000


def _sc_segment_sum(edge_attr, edge_index):
    mesh = plsc.VectorSubcoreMesh(core_axis_name="c", subcore_axis_name="s")

    @functools.partial(
        pl.kernel,
        out_type=jax.ShapeDtypeStruct((P1OFF + N_PAD, D), jnp.float32),
        mesh=mesh,
        scratch_types=[
            pltpu.VMEM((2, 2, CHUNK), jnp.int32),
            pltpu.VMEM((2, CHUNK, D), jnp.float32),
            pltpu.VMEM((ZROWS, D), jnp.float32),
            pltpu.VMEM_SHARED((N_PAD, D), jnp.float32),
            pltpu.SemaphoreType.DMA,
            pltpu.SemaphoreType.DMA,
            pltpu.SemaphoreType.DMA,
        ],
    )
    def seg(edge_hbm, ei_hbm, out_hbm, idx_v, rows_v, zbuf, acc,
            f0, f1, zsem):
        c = lax.axis_index("c")
        s = lax.axis_index("s")
        w = c * NS + s
        rbase = s * ROWS_PER_SUB
        fsems = (f0, f1)

        def start(t, b):
            ch = t * NW + w
            pltpu.async_copy(ei_hbm.at[:, pl.ds(ch * CHUNK, CHUNK)],
                             idx_v.at[b], fsems[b])
            pltpu.async_copy(edge_hbm.at[pl.ds(ch * CHUNK, CHUNK)],
                             rows_v.at[b], fsems[b])

        def wait_fetch(b):
            pltpu.make_async_copy(ei_hbm.at[:, pl.ds(0, CHUNK)],
                                  idx_v.at[b], fsems[b]).wait()
            pltpu.make_async_copy(edge_hbm.at[pl.ds(0, CHUNK)],
                                  rows_v.at[b], fsems[b]).wait()

        start(0, 0)
        start(1, 1)

        def zrow(r, carry):
            for k in range(D // 16):
                zbuf[r, pl.ds(k * 16, 16)] = jnp.zeros((16,), jnp.float32)
            return carry

        lax.fori_loop(0, ZROWS, zrow, 0)
        nfull = ROWS_PER_SUB // ZROWS
        for k in range(nfull):
            pltpu.async_copy(zbuf, acc.at[pl.ds(rbase + k * ZROWS, ZROWS)], zsem)
        rem = ROWS_PER_SUB % ZROWS
        if rem:
            pltpu.async_copy(zbuf.at[pl.ds(0, rem)],
                             acc.at[pl.ds(rbase + ROWS_PER_SUB - rem, rem)], zsem)
        for k in range(nfull):
            pltpu.make_async_copy(zbuf, acc.at[pl.ds(rbase, ZROWS)], zsem).wait()
        if rem:
            pltpu.make_async_copy(zbuf.at[pl.ds(0, rem)],
                                  acc.at[pl.ds(rbase, rem)], zsem).wait()
        plsc.subcore_barrier()

        def ring(g, carry):
            for b in range(2):
                t = 2 * g + b
                wait_fetch(b)
                pltpu.sync_copy(rows_v.at[b], acc.at[idx_v.at[b, 1]], add=True)

                @pl.when(t + 2 < FULL_T)
                def _():
                    start(t + 2, b)
            return carry

        lax.fori_loop(0, (FULL_T - 1) // 2, ring, 0)

        nleft = NCHUNK - FULL_T * NW

        @pl.when(w < nleft)
        def _():
            start(FULL_T, 1)

        wait_fetch(0)
        pltpu.sync_copy(rows_v.at[0], acc.at[idx_v.at[0, 1]], add=True)

        @pl.when(w < nleft)
        def _():
            wait_fetch(1)
            pltpu.sync_copy(rows_v.at[1], acc.at[idx_v.at[1, 1]], add=True)

        plsc.subcore_barrier()
        pltpu.sync_copy(acc.at[pl.ds(rbase, ROWS_PER_SUB)],
                        out_hbm.at[pl.ds(c * P1OFF + rbase, ROWS_PER_SUB)])

    return seg(edge_attr, edge_index)


def _tc_body(x_ref, p0_ref, p1_ref, w1a_ref, w1bcat_ref, b1_ref, w2_ref,
             b2_ref, g_ref, bt_ref, o_ref):
    xn = x_ref[...]
    agg = p0_ref[...] + p1_ref[...]
    agg4 = (jnp.dot(agg.astype(jnp.bfloat16), w1bcat_ref[...],
                    preferred_element_type=jnp.float32)
            + b1_ref[...][None, :])
    for i in range(NB):
        u = (jnp.dot(xn.astype(jnp.bfloat16), w1a_ref[i],
                     preferred_element_type=jnp.float32)
             + agg4[:, i * D:(i + 1) * D])
        h = jnp.maximum(u, 0.0)
        v = (jnp.dot(h.astype(jnp.bfloat16), w2_ref[i],
                     preferred_element_type=jnp.float32)
             + b2_ref[i][None, :])
        mu = jnp.mean(v, axis=-1, keepdims=True)
        var = jnp.mean(v * v, axis=-1, keepdims=True) - mu * mu
        scale = lax.rsqrt(var + 1e-5) * g_ref[i][None, :]
        xn = (v - mu) * scale + bt_ref[i][None, :] + xn
    o_ref[...] = xn


def _tc_mlp(x, partials, w1a, w1bcat, b1cat, w2, nb2, ng, nbt):
    whole = lambda shape: pl.BlockSpec(shape, lambda i: (0,) * len(shape))
    return pl.pallas_call(
        _tc_body,
        grid=(N // BN,),
        in_specs=[
            pl.BlockSpec((BN, D), lambda i: (i, 0)),
            pl.BlockSpec((BN, D), lambda i: (i, 0)),
            pl.BlockSpec((BN, D), lambda i: (i + P1OFF // BN, 0)),
            whole((NB, D, D)),
            whole((D, NB * D)),
            whole((NB * D,)),
            whole((NB, D, D)),
            whole((NB, D)),
            whole((NB, D)),
            whole((NB, D)),
        ],
        out_specs=pl.BlockSpec((BN, D), lambda i: (i, 0)),
        out_shape=jax.ShapeDtypeStruct((N, D), jnp.float32),
    )(x, partials, partials, w1a, w1bcat, b1cat, w2, nb2, ng, nbt)


def kernel(x, edge_attr, pos, edge_index, eW1, eb1, eW2, eb2, eg, ebt,
           nW1, nb1, nW2, nb2, ng, nbt):
    partials = _sc_segment_sum(edge_attr, edge_index)
    w1a = nW1[:, :D, :].astype(jnp.bfloat16)
    w1bcat = nW1[:, D:, :].transpose(1, 0, 2).reshape(D, NB * D).astype(jnp.bfloat16)
    w2 = nW2.astype(jnp.bfloat16)
    b1cat = nb1.reshape(NB * D)
    return _tc_mlp(x, partials, w1a, w1bcat, b1cat, w2, nb2, ng, nbt)

# --- scband reference (transcript-rebuilt; emitter-appended) ---
"""Pipeline reference for scband-processor-53128745451657 (READ-ONLY COPY).

The authoritative reference and input builder live on the scoring server;
editing this copy changes nothing except your own understanding.
"""

import jax, jax.numpy as jnp
import numpy as np

N = 10000
E = 160000
D = 128
STEPS = 2
NB = 2 * STEPS  # each step applies graphnet_block and pool block (both GraphNetBlocks)


def _layer_norm(h, g, b):
    mu = jnp.mean(h, axis=-1, keepdims=True)
    var = jnp.mean((h - mu) ** 2, axis=-1, keepdims=True)
    return (h - mu) / jnp.sqrt(var + 1e-5) * g + b


def _mlp(h, W1, b1, W2, b2, g, bt):
    h = jax.nn.relu(h @ W1 + b1)
    h = h @ W2 + b2
    return _layer_norm(h, g, bt)


def setup_inputs(seed: int = 0) -> dict:
    key = jax.random.key(seed)
    ks = jax.random.split(key, 24)
    inp = {}
    inp["x"] = jax.random.normal(ks[0], (N, D), dtype=jnp.float32)
    inp["edge_attr"] = jax.random.normal(ks[1], (E, D), dtype=jnp.float32)
    inp["pos"] = jax.random.normal(ks[2], (N, 3), dtype=jnp.float32)
    inp["edge_index"] = jax.random.randint(ks[3], (2, E), 0, N, dtype=jnp.int32)
    s = 0.05
    # edge model MLP: in 3*D -> D -> D, LayerNorm; one per block application (NB total)
    inp["eW1"] = jax.random.normal(ks[4], (NB, 3 * D, D), dtype=jnp.float32) * s
    inp["eb1"] = jnp.zeros((NB, D), dtype=jnp.float32)
    inp["eW2"] = jax.random.normal(ks[5], (NB, D, D), dtype=jnp.float32) * s
    inp["eb2"] = jnp.zeros((NB, D), dtype=jnp.float32)
    inp["eg"] = jnp.ones((NB, D), dtype=jnp.float32)
    inp["ebt"] = jnp.zeros((NB, D), dtype=jnp.float32)
    # node model MLP: in 2*D -> D -> D, LayerNorm
    inp["nW1"] = jax.random.normal(ks[6], (NB, 2 * D, D), dtype=jnp.float32) * s
    inp["nb1"] = jnp.zeros((NB, D), dtype=jnp.float32)
    inp["nW2"] = jax.random.normal(ks[7], (NB, D, D), dtype=jnp.float32) * s
    inp["nb2"] = jnp.zeros((NB, D), dtype=jnp.float32)
    inp["ng"] = jnp.ones((NB, D), dtype=jnp.float32)
    inp["nbt"] = jnp.zeros((NB, D), dtype=jnp.float32)
    return inp


def reference(x, edge_attr, pos, edge_index, eW1, eb1, eW2, eb2, eg, ebt, nW1, nb1, nW2, nb2, ng, nbt):
    senders = edge_index[0]
    receivers = edge_index[1]
    xn = x
    ea = edge_attr
    for i in range(NB):
        # _update_edge_features: gather sender/receiver node feats, concat with edge_attr, edge MLP
        sf = jnp.take(xn, senders, axis=0)
        rf = jnp.take(xn, receivers, axis=0)
        ef = jnp.concatenate([sf, rf, ea], axis=-1)
        new_e = _mlp(ef, eW1[i], eb1[i], eW2[i], eb2[i], eg[i], ebt[i]) + ea
        # _update_node_features: unsorted_segment_sum of (old) edge_attr by receiver, concat, node MLP
        agg = jax.ops.segment_sum(ea, receivers, num_segments=xn.shape[0])
        nf = jnp.concatenate([xn, agg], axis=-1)
        xn = _mlp(nf, nW1[i], nb1[i], nW2[i], nb2[i], ng[i], nbt[i]) + xn
        # original GraphNetBlock returns Data with edge_attr=graph.edge_attr (edge features not propagated)
        ea = edge_attr
        _ = new_e
    return xn

if __name__ == "__main__":
    import jax
    _d = setup_inputs()
    print(jax.jit(kernel)(*tuple(_d.values())))

</pallas_src>

<mosaic_0001>
#map = affine_map<(d0, d1) -> (0, 0)>
module attributes {stable_mosaic.version = 14 : i64} {
  func.func @seg(%arg0: i32, %arg1: i32, %arg2: memref<160000x128xf32, #tpu.memory_space<hbm>>, %arg3: memref<2x160000xi32, #tpu.memory_space<hbm>>, %arg4: memref<22112x128xf32, #tpu.memory_space<hbm>>, %arg5: memref<2x2x128xi32, #tpu.memory_space<vmem>>, %arg6: memref<2x128x128xf32, #tpu.memory_space<vmem>>, %arg7: memref<40x128xf32, #tpu.memory_space<vmem>>, %arg8: memref<10112x128xf32, #tpu.memory_space<vmem_shared>>, %arg9: memref<!tpu.dma_semaphore, #tpu.memory_space<semaphore_mem>>, %arg10: memref<!tpu.dma_semaphore, #tpu.memory_space<semaphore_mem>>, %arg11: memref<!tpu.dma_semaphore, #tpu.memory_space<semaphore_mem>>) attributes {dimension_semantics = [#tpu.dimension_semantics<core_parallel>, #tpu.dimension_semantics<subcore_parallel>], iteration_bounds = array<i64: 2, 16>, scalar_prefetch = 0 : i64, scratch_operands = 7 : i64, tpu.core_type = #tpu.core_type<sc_vector_subcore>, window_params = [{transform_indices = #map}, {transform_indices = #map}, {transform_indices = #map}]} {
    %mul3A = arith.constant 16 : i32
    %mul3A_0 = arith.muli %arg0, %mul3A : i32
    %add3A = arith.addi %mul3A_0, %arg1 : i32
    %mul3A_1 = arith.constant 632 : i32
    %mul3A_2 = arith.muli %arg1, %mul3A_1 : i32
    %add3A_3 = arith.constant 0 : i32
    %add3A_4 = arith.addi %add3A_3, %add3A : i32
    %mul3A_5 = arith.constant 128 : i32
    %mul3A_6 = arith.muli %add3A_4, %mul3A_5 : i32
    %dma_start3A = arith.constant 0 : i32
    %dma_start3A_7 = arith.constant 0 : i32
    %dma_start3A_8 = arith.constant 0 : i32
    %dma_start3A_9 = tpu.memref_slice %arg5[%dma_start3A, %dma_start3A_7, %dma_start3A_8] : memref<2x2x128xi32, #tpu.memory_space<vmem>> -> memref<1x2x128xi32, #tpu.memory_space<vmem>>
    %dma_start3A_10 = tpu.memref_squeeze %dma_start3A_9 : memref<1x2x128xi32, #tpu.memory_space<vmem>> -> memref<2x128xi32, #tpu.memory_space<vmem>>
    %dma_start3A_11 = arith.constant 0 : i32
    %dma_start3A_12 = tpu.memref_slice %arg3[%dma_start3A_11, %mul3A_6] : memref<2x160000xi32, #tpu.memory_space<hbm>> -> memref<2x128xi32, #tpu.memory_space<hbm>>
    %dma_start3A_13 = arith.constant 0 : i32
    %dma_start3A_14 = arith.constant 0 : i32
    %dma_start3A_15 = tpu.memref_slice %arg5[%dma_start3A, %dma_start3A_13, %dma_start3A_14] : memref<2x2x128xi32, #tpu.memory_space<vmem>> -> memref<1x2x128xi32, #tpu.memory_space<vmem>>
    %dma_start3A_16 = tpu.memref_squeeze %dma_start3A_15 : memref<1x2x128xi32, #tpu.memory_space<vmem>> -> memref<2x128xi32, #tpu.memory_space<vmem>>
    %dma_start3A_17 = arith.constant 0 : i32
    %dma_start3A_18 = tpu.memref_slice %arg3[%dma_start3A_17, %mul3A_6] : memref<2x160000xi32, #tpu.memory_space<hbm>> -> memref<2x128xi32, #tpu.memory_space<hbm>>
    tpu.enqueue_dma source(%dma_start3A_18 : memref<2x128xi32, #tpu.memory_space<hbm>>) target(%dma_start3A_16 : memref<2x128xi32, #tpu.memory_space<vmem>>) target_semaphore(%arg9 : memref<!tpu.dma_semaphore, #tpu.memory_space<semaphore_mem>>)
    %mul3A_19 = arith.constant 128 : i32
    %mul3A_20 = arith.muli %add3A_4, %mul3A_19 : i32
    %dma_start3A_21 = arith.constant 0 : i32
    %dma_start3A_22 = arith.constant 0 : i32
    %dma_start3A_23 = arith.constant 0 : i32
    %dma_start3A_24 = tpu.memref_slice %arg6[%dma_start3A_21, %dma_start3A_22, %dma_start3A_23] : memref<2x128x128xf32, #tpu.memory_space<vmem>> -> memref<1x128x128xf32, #tpu.memory_space<vmem>>
    %dma_start3A_25 = tpu.memref_squeeze %dma_start3A_24 : memref<1x128x128xf32, #tpu.memory_space<vmem>> -> memref<128x128xf32, #tpu.memory_space<vmem>>
    %dma_start3A_26 = arith.constant 0 : i32
    %dma_start3A_27 = tpu.memref_slice %arg2[%mul3A_20, %dma_start3A_26] : memref<160000x128xf32, #tpu.memory_space<hbm>> -> memref<128x128xf32, #tpu.memory_space<hbm>>
    %dma_start3A_28 = arith.constant 0 : i32
    %dma_start3A_29 = arith.constant 0 : i32
    %dma_start3A_30 = tpu.memref_slice %arg6[%dma_start3A_21, %dma_start3A_28, %dma_start3A_29] : memref<2x128x128xf32, #tpu.memory_space<vmem>> -> memref<1x128x128xf32, #tpu.memory_space<vmem>>
    %dma_start3A_31 = tpu.memref_squeeze %dma_start3A_30 : memref<1x128x128xf32, #tpu.memory_space<vmem>> -> memref<128x128xf32, #tpu.memory_space<vmem>>
    %dma_start3A_32 = arith.constant 0 : i32
    %dma_start3A_33 = tpu.memref_slice %arg2[%mul3A_20, %dma_start3A_32] : memref<160000x128xf32, #tpu.memory_space<hbm>> -> memref<128x128xf32, #tpu.memory_space<hbm>>
    tpu.enqueue_dma source(%dma_start3A_33 : memref<128x128xf32, #tpu.memory_space<hbm>>) target(%dma_start3A_31 : memref<128x128xf32, #tpu.memory_space<vmem>>) target_semaphore(%arg9 : memref<!tpu.dma_semaphore, #tpu.memory_space<semaphore_mem>>)
    %add3A_34 = arith.constant 32 : i32
    %add3A_35 = arith.addi %add3A_34, %add3A : i32
    %mul3A_36 = arith.constant 128 : i32
    %mul3A_37 = arith.muli %add3A_35, %mul3A_36 : i32
    %dma_start3A_38 = arith.constant 1 : i32
    %dma_start3A_39 = arith.constant 0 : i32
    %dma_start3A_40 = arith.constant 0 : i32
    %dma_start3A_41 = tpu.memref_slice %arg5[%dma_start3A_38, %dma_start3A_39, %dma_start3A_40] : memref<2x2x128xi32, #tpu.memory_space<vmem>> -> memref<1x2x128xi32, #tpu.memory_space<vmem>>
    %dma_start3A_42 = tpu.memref_squeeze %dma_start3A_41 : memref<1x2x128xi32, #tpu.memory_space<vmem>> -> memref<2x128xi32, #tpu.memory_space<vmem>>
    %dma_start3A_43 = arith.constant 0 : i32
    %dma_start3A_44 = tpu.memref_slice %arg3[%dma_start3A_43, %mul3A_37] : memref<2x160000xi32, #tpu.memory_space<hbm>> -> memref<2x128xi32, #tpu.memory_space<hbm>>
    %dma_start3A_45 = arith.constant 0 : i32
    %dma_start3A_46 = arith.constant 0 : i32
    %dma_start3A_47 = tpu.memref_slice %arg5[%dma_start3A_38, %dma_start3A_45, %dma_start3A_46] : memref<2x2x128xi32, #tpu.memory_space<vmem>> -> memref<1x2x128xi32, #tpu.memory_space<vmem>>
    %dma_start3A_48 = tpu.memref_squeeze %dma_start3A_47 : memref<1x2x128xi32, #tpu.memory_space<vmem>> -> memref<2x128xi32, #tpu.memory_space<vmem>>
    %dma_start3A_49 = arith.constant 0 : i32
    %dma_start3A_50 = tpu.memref_slice %arg3[%dma_start3A_49, %mul3A_37] : memref<2x160000xi32, #tpu.memory_space<hbm>> -> memref<2x128xi32, #tpu.memory_space<hbm>>
    tpu.enqueue_dma source(%dma_start3A_50 : memref<2x128xi32, #tpu.memory_space<hbm>>) target(%dma_start3A_48 : memref<2x128xi32, #tpu.memory_space<vmem>>) target_semaphore(%arg10 : memref<!tpu.dma_semaphore, #tpu.memory_space<semaphore_mem>>)
    %mul3A_51 = arith.constant 128 : i32
    %mul3A_52 = arith.muli %add3A_35, %mul3A_51 : i32
    %dma_start3A_53 = arith.constant 1 : i32
    %dma_start3A_54 = arith.constant 0 : i32
    %dma_start3A_55 = arith.constant 0 : i32
    %dma_start3A_56 = tpu.memref_slice %arg6[%dma_start3A_53, %dma_start3A_54, %dma_start3A_55] : memref<2x128x128xf32, #tpu.memory_space<vmem>> -> memref<1x128x128xf32, #tpu.memory_space<vmem>>
    %dma_start3A_57 = tpu.memref_squeeze %dma_start3A_56 : memref<1x128x128xf32, #tpu.memory_space<vmem>> -> memref<128x128xf32, #tpu.memory_space<vmem>>
    %dma_start3A_58 = arith.constant 0 : i32
    %dma_start3A_59 = tpu.memref_slice %arg2[%mul3A_52, %dma_start3A_58] : memref<160000x128xf32, #tpu.memory_space<hbm>> -> memref<128x128xf32, #tpu.memory_space<hbm>>
    %dma_start3A_60 = arith.constant 0 : i32
    %dma_start3A_61 = arith.constant 0 : i32
    %dma_start3A_62 = tpu.memref_slice %arg6[%dma_start3A_53, %dma_start3A_60, %dma_start3A_61] : memref<2x128x128xf32, #tpu.memory_space<vmem>> -> memref<1x128x128xf32, #tpu.memory_space<vmem>>
    %dma_start3A_63 = tpu.memref_squeeze %dma_start3A_62 : memref<1x128x128xf32, #tpu.memory_space<vmem>> -> memref<128x128xf32, #tpu.memory_space<vmem>>
    %dma_start3A_64 = arith.constant 0 : i32
    %dma_start3A_65 = tpu.memref_slice %arg2[%mul3A_52, %dma_start3A_64] : memref<160000x128xf32, #tpu.memory_space<hbm>> -> memref<128x128xf32, #tpu.memory_space<hbm>>
    tpu.enqueue_dma source(%dma_start3A_65 : memref<128x128xf32, #tpu.memory_space<hbm>>) target(%dma_start3A_63 : memref<128x128xf32, #tpu.memory_space<vmem>>) target_semaphore(%arg10 : memref<!tpu.dma_semaphore, #tpu.memory_space<semaphore_mem>>)
    %scan3A = arith.constant 0 : i32
    %scan3A_66 = arith.constant 0 : i32
    %scan3A_67 = arith.constant 40 : i32
    %scan3A_68 = arith.addi %scan3A_66, %scan3A_67 : i32
    %scan3A_69 = arith.constant 1 : i32
    scf.for %scan3A_292 = %scan3A_66 to %scan3A_68 step %scan3A_69  : i32 {
      %broadcast_in_dim3A = arith.constant 0.000000e+00 : f32
      %broadcast_in_dim3A_293 = vector.broadcast %broadcast_in_dim3A : f32 to vector<16xf32>
      %swap3A = arith.index_cast %scan3A_292 : i32 to index
      %swap3A_294 = arith.constant 0 : index
      %swap3A_295 = tpu.vector_load %arg7[%swap3A, %swap3A_294] {strides = array<i32>} : memref<40x128xf32, #tpu.memory_space<vmem>>, vector<1x16xf32>,
      %swap3A_296 = vector.shape_cast %swap3A_295 : vector<1x16xf32> to vector<16xf32>
      %swap3A_297 = vector.shape_cast %broadcast_in_dim3A_293 : vector<16xf32> to vector<1x16xf32>
      tpu.vector_store %arg7[%swap3A, %swap3A_294], %swap3A_297 {strides = array<i32>} : memref<40x128xf32, #tpu.memory_space<vmem>>, vector<1x16xf32>,
      %broadcast_in_dim3A_298 = arith.constant 0.000000e+00 : f32
      %broadcast_in_dim3A_299 = vector.broadcast %broadcast_in_dim3A_298 : f32 to vector<16xf32>
      %swap3A_300 = arith.index_cast %scan3A_292 : i32 to index
      %swap3A_301 = arith.constant 16 : index
      %swap3A_302 = tpu.vector_load %arg7[%swap3A_300, %swap3A_301] {strides = array<i32>} : memref<40x128xf32, #tpu.memory_space<vmem>>, vector<1x16xf32>,
      %swap3A_303 = vector.shape_cast %swap3A_302 : vector<1x16xf32> to vector<16xf32>
      %swap3A_304 = vector.shape_cast %broadcast_in_dim3A_299 : vector<16xf32> to vector<1x16xf32>
      tpu.vector_store %arg7[%swap3A_300, %swap3A_301], %swap3A_304 {strides = array<i32>} : memref<40x128xf32, #tpu.memory_space<vmem>>, vector<1x16xf32>,
      %broadcast_in_dim3A_305 = arith.constant 0.000000e+00 : f32
      %broadcast_in_dim3A_306 = vector.broadcast %broadcast_in_dim3A_305 : f32 to vector<16xf32>
      %swap3A_307 = arith.index_cast %scan3A_292 : i32 to index
      %swap3A_308 = arith.constant 32 : index
      %swap3A_309 = tpu.vector_load %arg7[%swap3A_307, %swap3A_308] {strides = array<i32>} : memref<40x128xf32, #tpu.memory_space<vmem>>, vector<1x16xf32>,
      %swap3A_310 = vector.shape_cast %swap3A_309 : vector<1x16xf32> to vector<16xf32>
      %swap3A_311 = vector.shape_cast %broadcast_in_dim3A_306 : vector<16xf32> to vector<1x16xf32>
      tpu.vector_store %arg7[%swap3A_307, %swap3A_308], %swap3A_311 {strides = array<i32>} : memref<40x128xf32, #tpu.memory_space<vmem>>, vector<1x16xf32>,
      %broadcast_in_dim3A_312 = arith.constant 0.000000e+00 : f32
      %broadcast_in_dim3A_313 = vector.broadcast %broadcast_in_dim3A_312 : f32 to vector<16xf32>
      %swap3A_314 = arith.index_cast %scan3A_292 : i32 to index
      %swap3A_315 = arith.constant 48 : index
      %swap3A_316 = tpu.vector_load %arg7[%swap3A_314, %swap3A_315] {strides = array<i32>} : memref<40x128xf32, #tpu.memory_space<vmem>>, vector<1x16xf32>,
      %swap3A_317 = vector.shape_cast %swap3A_316 : vector<1x16xf32> to vector<16xf32>
      %swap3A_318 = vector.shape_cast %broadcast_in_dim3A_313 : vector<16xf32> to vector<1x16xf32>
      tpu.vector_store %arg7[%swap3A_314, %swap3A_315], %swap3A_318 {strides = array<i32>} : memref<40x128xf32, #tpu.memory_space<vmem>>, vector<1x16xf32>,
      %broadcast_in_dim3A_319 = arith.constant 0.000000e+00 : f32
      %broadcast_in_dim3A_320 = vector.broadcast %broadcast_in_dim3A_319 : f32 to vector<16xf32>
      %swap3A_321 = arith.index_cast %scan3A_292 : i32 to index
      %swap3A_322 = arith.constant 64 : index
      %swap3A_323 = tpu.vector_load %arg7[%swap3A_321, %swap3A_322] {strides = array<i32>} : memref<40x128xf32, #tpu.memory_space<vmem>>, vector<1x16xf32>,
      %swap3A_324 = vector.shape_cast %swap3A_323 : vector<1x16xf32> to vector<16xf32>
      %swap3A_325 = vector.shape_cast %broadcast_in_dim3A_320 : vector<16xf32> to vector<1x16xf32>
      tpu.vector_store %arg7[%swap3A_321, %swap3A_322], %swap3A_325 {strides = array<i32>} : memref<40x128xf32, #tpu.memory_space<vmem>>, vector<1x16xf32>,
      %broadcast_in_dim3A_326 = arith.constant 0.000000e+00 : f32
      %broadcast_in_dim3A_327 = vector.broadcast %broadcast_in_dim3A_326 : f32 to vector<16xf32>
      %swap3A_328 = arith.index_cast %scan3A_292 : i32 to index
      %swap3A_329 = arith.constant 80 : index
      %swap3A_330 = tpu.vector_load %arg7[%swap3A_328, %swap3A_329] {strides = array<i32>} : memref<40x128xf32, #tpu.memory_space<vmem>>, vector<1x16xf32>,
      %swap3A_331 = vector.shape_cast %swap3A_330 : vector<1x16xf32> to vector<16xf32>
      %swap3A_332 = vector.shape_cast %broadcast_in_dim3A_327 : vector<16xf32> to vector<1x16xf32>
      tpu.vector_store %arg7[%swap3A_328, %swap3A_329], %swap3A_332 {strides = array<i32>} : memref<40x128xf32, #tpu.memory_space<vmem>>, vector<1x16xf32>,
      %broadcast_in_dim3A_333 = arith.constant 0.000000e+00 : f32
      %broadcast_in_dim3A_334 = vector.broadcast %broadcast_in_dim3A_333 : f32 to vector<16xf32>
      %swap3A_335 = arith.index_cast %scan3A_292 : i32 to index
      %swap3A_336 = arith.constant 96 : index
      %swap3A_337 = tpu.vector_load %arg7[%swap3A_335, %swap3A_336] {strides = array<i32>} : memref<40x128xf32, #tpu.memory_space<vmem>>, vector<1x16xf32>,
      %swap3A_338 = vector.shape_cast %swap3A_337 : vector<1x16xf32> to vector<16xf32>
      %swap3A_339 = vector.shape_cast %broadcast_in_dim3A_334 : vector<16xf32> to vector<1x16xf32>
      tpu.vector_store %arg7[%swap3A_335, %swap3A_336], %swap3A_339 {strides = array<i32>} : memref<40x128xf32, #tpu.memory_space<vmem>>, vector<1x16xf32>,
      %broadcast_in_dim3A_340 = arith.constant 0.000000e+00 : f32
      %broadcast_in_dim3A_341 = vector.broadcast %broadcast_in_dim3A_340 : f32 to vector<16xf32>
      %swap3A_342 = arith.index_cast %scan3A_292 : i32 to index
      %swap3A_343 = arith.constant 112 : index
      %swap3A_344 = tpu.vector_load %arg7[%swap3A_342, %swap3A_343] {strides = array<i32>} : memref<40x128xf32, #tpu.memory_space<vmem>>, vector<1x16xf32>,
      %swap3A_345 = vector.shape_cast %swap3A_344 : vector<1x16xf32> to vector<16xf32>
      %swap3A_346 = vector.shape_cast %broadcast_in_dim3A_341 : vector<16xf32> to vector<1x16xf32>
      tpu.vector_store %arg7[%swap3A_342, %swap3A_343], %swap3A_346 {strides = array<i32>} : memref<40x128xf32, #tpu.memory_space<vmem>>, vector<1x16xf32>,
    }
    %scan3A_70 = arith.constant 40 : i32
    %add3A_71 = arith.constant 0 : i32
    %add3A_72 = arith.addi %mul3A_2, %add3A_71 : i32
    %dma_start3A_73 = arith.constant 0 : i32
    %dma_start3A_74 = tpu.memref_slice %arg8[%add3A_72, %dma_start3A_73] : memref<10112x128xf32, #tpu.memory_space<vmem_shared>> -> memref<40x128xf32, #tpu.memory_space<vmem_shared>>
    %dma_start3A_75 = arith.constant 0 : i32
    %dma_start3A_76 = tpu.memref_slice %arg8[%add3A_72, %dma_start3A_75] : memref<10112x128xf32, #tpu.memory_space<vmem_shared>> -> memref<40x128xf32, #tpu.memory_space<vmem_shared>>
    tpu.enqueue_dma source(%arg7 : memref<40x128xf32, #tpu.memory_space<vmem>>) target(%dma_start3A_76 : memref<40x128xf32, #tpu.memory_space<vmem_shared>>) target_semaphore(%arg11 : memref<!tpu.dma_semaphore, #tpu.memory_space<semaphore_mem>>)
    %add3A_77 = arith.constant 40 : i32
    %add3A_78 = arith.addi %mul3A_2, %add3A_77 : i32
    %dma_start3A_79 = arith.constant 0 : i32
    %dma_start3A_80 = tpu.memref_slice %arg8[%add3A_78, %dma_start3A_79] : memref<10112x128xf32, #tpu.memory_space<vmem_shared>> -> memref<40x128xf32, #tpu.memory_space<vmem_shared>>
    %dma_start3A_81 = arith.constant 0 : i32
    %dma_start3A_82 = tpu.memref_slice %arg8[%add3A_78, %dma_start3A_81] : memref<10112x128xf32, #tpu.memory_space<vmem_shared>> -> memref<40x128xf32, #tpu.memory_space<vmem_shared>>
    tpu.enqueue_dma source(%arg7 : memref<40x128xf32, #tpu.memory_space<vmem>>) target(%dma_start3A_82 : memref<40x128xf32, #tpu.memory_space<vmem_shared>>) target_semaphore(%arg11 : memref<!tpu.dma_semaphore, #tpu.memory_space<semaphore_mem>>)
    %add3A_83 = arith.constant 80 : i32
    %add3A_84 = arith.addi %mul3A_2, %add3A_83 : i32
    %dma_start3A_85 = arith.constant 0 : i32
    %dma_start3A_86 = tpu.memref_slice %arg8[%add3A_84, %dma_start3A_85] : memref<10112x128xf32, #tpu.memory_space<vmem_shared>> -> memref<40x128xf32, #tpu.memory_space<vmem_shared>>
    %dma_start3A_87 = arith.constant 0 : i32
    %dma_start3A_88 = tpu.memref_slice %arg8[%add3A_84, %dma_start3A_87] : memref<10112x128xf32, #tpu.memory_space<vmem_shared>> -> memref<40x128xf32, #tpu.memory_space<vmem_shared>>
    tpu.enqueue_dma source(%arg7 : memref<40x128xf32, #tpu.memory_space<vmem>>) target(%dma_start3A_88 : memref<40x128xf32, #tpu.memory_space<vmem_shared>>) target_semaphore(%arg11 : memref<!tpu.dma_semaphore, #tpu.memory_space<semaphore_mem>>)
    %add3A_89 = arith.constant 120 : i32
    %add3A_90 = arith.addi %mul3A_2, %add3A_89 : i32
    %dma_start3A_91 = arith.constant 0 : i32
    %dma_start3A_92 = tpu.memref_slice %arg8[%add3A_90, %dma_start3A_91] : memref<10112x128xf32, #tpu.memory_space<vmem_shared>> -> memref<40x128xf32, #tpu.memory_space<vmem_shared>>
    %dma_start3A_93 = arith.constant 0 : i32
    %dma_start3A_94 = tpu.memref_slice %arg8[%add3A_90, %dma_start3A_93] : memref<10112x128xf32, #tpu.memory_space<vmem_shared>> -> memref<40x128xf32, #tpu.memory_space<vmem_shared>>
    tpu.enqueue_dma source(%arg7 : memref<40x128xf32, #tpu.memory_space<vmem>>) target(%dma_start3A_94 : memref<40x128xf32, #tpu.memory_space<vmem_shared>>) target_semaphore(%arg11 : memref<!tpu.dma_semaphore, #tpu.memory_space<semaphore_mem>>)
    %add3A_95 = arith.constant 160 : i32
    %add3A_96 = arith.addi %mul3A_2, %add3A_95 : i32
    %dma_start3A_97 = arith.constant 0 : i32
    %dma_start3A_98 = tpu.memref_slice %arg8[%add3A_96, %dma_start3A_97] : memref<10112x128xf32, #tpu.memory_space<vmem_shared>> -> memref<40x128xf32, #tpu.memory_space<vmem_shared>>
    %dma_start3A_99 = arith.constant 0 : i32
    %dma_start3A_100 = tpu.memref_slice %arg8[%add3A_96, %dma_start3A_99] : memref<10112x128xf32, #tpu.memory_space<vmem_shared>> -> memref<40x128xf32, #tpu.memory_space<vmem_shared>>
    tpu.enqueue_dma source(%arg7 : memref<40x128xf32, #tpu.memory_space<vmem>>) target(%dma_start3A_100 : memref<40x128xf32, #tpu.memory_space<vmem_shared>>) target_semaphore(%arg11 : memref<!tpu.dma_semaphore, #tpu.memory_space<semaphore_mem>>)
    %add3A_101 = arith.constant 200 : i32
    %add3A_102 = arith.addi %mul3A_2, %add3A_101 : i32
    %dma_start3A_103 = arith.constant 0 : i32
    %dma_start3A_104 = tpu.memref_slice %arg8[%add3A_102, %dma_start3A_103] : memref<10112x128xf32, #tpu.memory_space<vmem_shared>> -> memref<40x128xf32, #tpu.memory_space<vmem_shared>>
    %dma_start3A_105 = arith.constant 0 : i32
    %dma_start3A_106 = tpu.memref_slice %arg8[%add3A_102, %dma_start3A_105] : memref<10112x128xf32, #tpu.memory_space<vmem_shared>> -> memref<40x128xf32, #tpu.memory_space<vmem_shared>>
    tpu.enqueue_dma source(%arg7 : memref<40x128xf32, #tpu.memory_space<vmem>>) target(%dma_start3A_106 : memref<40x128xf32, #tpu.memory_space<vmem_shared>>) target_semaphore(%arg11 : memref<!tpu.dma_semaphore, #tpu.memory_space<semaphore_mem>>)
    %add3A_107 = arith.constant 240 : i32
    %add3A_108 = arith.addi %mul3A_2, %add3A_107 : i32
    %dma_start3A_109 = arith.constant 0 : i32
    %dma_start3A_110 = tpu.memref_slice %arg8[%add3A_108, %dma_start3A_109] : memref<10112x128xf32, #tpu.memory_space<vmem_shared>> -> memref<40x128xf32, #tpu.memory_space<vmem_shared>>
    %dma_start3A_111 = arith.constant 0 : i32
    %dma_start3A_112 = tpu.memref_slice %arg8[%add3A_108, %dma_start3A_111] : memref<10112x128xf32, #tpu.memory_space<vmem_shared>> -> memref<40x128xf32, #tpu.memory_space<vmem_shared>>
    tpu.enqueue_dma source(%arg7 : memref<40x128xf32, #tpu.memory_space<vmem>>) target(%dma_start3A_112 : memref<40x128xf32, #tpu.memory_space<vmem_shared>>) target_semaphore(%arg11 : memref<!tpu.dma_semaphore, #tpu.memory_space<semaphore_mem>>)
    %add3A_113 = arith.constant 280 : i32
    %add3A_114 = arith.addi %mul3A_2, %add3A_113 : i32
    %dma_start3A_115 = arith.constant 0 : i32
    %dma_start3A_116 = tpu.memref_slice %arg8[%add3A_114, %dma_start3A_115] : memref<10112x128xf32, #tpu.memory_space<vmem_shared>> -> memref<40x128xf32, #tpu.memory_space<vmem_shared>>
    %dma_start3A_117 = arith.constant 0 : i32
    %dma_start3A_118 = tpu.memref_slice %arg8[%add3A_114, %dma_start3A_117] : memref<10112x128xf32, #tpu.memory_space<vmem_shared>> -> memref<40x128xf32, #tpu.memory_space<vmem_shared>>
    tpu.enqueue_dma source(%arg7 : memref<40x128xf32, #tpu.memory_space<vmem>>) target(%dma_start3A_118 : memref<40x128xf32, #tpu.memory_space<vmem_shared>>) target_semaphore(%arg11 : memref<!tpu.dma_semaphore, #tpu.memory_space<semaphore_mem>>)
    %add3A_119 = arith.constant 320 : i32
    %add3A_120 = arith.addi %mul3A_2, %add3A_119 : i32
    %dma_start3A_121 = arith.constant 0 : i32
    %dma_start3A_122 = tpu.memref_slice %arg8[%add3A_120, %dma_start3A_121] : memref<10112x128xf32, #tpu.memory_space<vmem_shared>> -> memref<40x128xf32, #tpu.memory_space<vmem_shared>>
    %dma_start3A_123 = arith.constant 0 : i32
    %dma_start3A_124 = tpu.memref_slice %arg8[%add3A_120, %dma_start3A_123] : memref<10112x128xf32, #tpu.memory_space<vmem_shared>> -> memref<40x128xf32, #tpu.memory_space<vmem_shared>>
    tpu.enqueue_dma source(%arg7 : memref<40x128xf32, #tpu.memory_space<vmem>>) target(%dma_start3A_124 : memref<40x128xf32, #tpu.memory_space<vmem_shared>>) target_semaphore(%arg11 : memref<!tpu.dma_semaphore, #tpu.memory_space<semaphore_mem>>)
    %add3A_125 = arith.constant 360 : i32
    %add3A_126 = arith.addi %mul3A_2, %add3A_125 : i32
    %dma_start3A_127 = arith.constant 0 : i32
    %dma_start3A_128 = tpu.memref_slice %arg8[%add3A_126, %dma_start3A_127] : memref<10112x128xf32, #tpu.memory_space<vmem_shared>> -> memref<40x128xf32, #tpu.memory_space<vmem_shared>>
    %dma_start3A_129 = arith.constant 0 : i32
    %dma_start3A_130 = tpu.memref_slice %arg8[%add3A_126, %dma_start3A_129] : memref<10112x128xf32, #tpu.memory_space<vmem_shared>> -> memref<40x128xf32, #tpu.memory_space<vmem_shared>>
    tpu.enqueue_dma source(%arg7 : memref<40x128xf32, #tpu.memory_space<vmem>>) target(%dma_start3A_130 : memref<40x128xf32, #tpu.memory_space<vmem_shared>>) target_semaphore(%arg11 : memref<!tpu.dma_semaphore, #tpu.memory_space<semaphore_mem>>)
    %add3A_131 = arith.constant 400 : i32
    %add3A_132 = arith.addi %mul3A_2, %add3A_131 : i32
    %dma_start3A_133 = arith.constant 0 : i32
    %dma_start3A_134 = tpu.memref_slice %arg8[%add3A_132, %dma_start3A_133] : memref<10112x128xf32, #tpu.memory_space<vmem_shared>> -> memref<40x128xf32, #tpu.memory_space<vmem_shared>>
    %dma_start3A_135 = arith.constant 0 : i32
    %dma_start3A_136 = tpu.memref_slice %arg8[%add3A_132, %dma_start3A_135] : memref<10112x128xf32, #tpu.memory_space<vmem_shared>> -> memref<40x128xf32, #tpu.memory_space<vmem_shared>>
    tpu.enqueue_dma source(%arg7 : memref<40x128xf32, #tpu.memory_space<vmem>>) target(%dma_start3A_136 : memref<40x128xf32, #tpu.memory_space<vmem_shared>>) target_semaphore(%arg11 : memref<!tpu.dma_semaphore, #tpu.memory_space<semaphore_mem>>)
    %add3A_137 = arith.constant 440 : i32
    %add3A_138 = arith.addi %mul3A_2, %add3A_137 : i32
    %dma_start3A_139 = arith.constant 0 : i32
    %dma_start3A_140 = tpu.memref_slice %arg8[%add3A_138, %dma_start3A_139] : memref<10112x128xf32, #tpu.memory_space<vmem_shared>> -> memref<40x128xf32, #tpu.memory_space<vmem_shared>>
    %dma_start3A_141 = arith.constant 0 : i32
    %dma_start3A_142 = tpu.memref_slice %arg8[%add3A_138, %dma_start3A_141] : memref<10112x128xf32, #tpu.memory_space<vmem_shared>> -> memref<40x128xf32, #tpu.memory_space<vmem_shared>>
    tpu.enqueue_dma source(%arg7 : memref<40x128xf32, #tpu.memory_space<vmem>>) target(%dma_start3A_142 : memref<40x128xf32, #tpu.memory_space<vmem_shared>>) target_semaphore(%arg11 : memref<!tpu.dma_semaphore, #tpu.memory_space<semaphore_mem>>)
    %add3A_143 = arith.constant 480 : i32
    %add3A_144 = arith.addi %mul3A_2, %add3A_143 : i32
    %dma_start3A_145 = arith.constant 0 : i32
    %dma_start3A_146 = tpu.memref_slice %arg8[%add3A_144, %dma_start3A_145] : memref<10112x128xf32, #tpu.memory_space<vmem_shared>> -> memref<40x128xf32, #tpu.memory_space<vmem_shared>>
    %dma_start3A_147 = arith.constant 0 : i32
    %dma_start3A_148 = tpu.memref_slice %arg8[%add3A_144, %dma_start3A_147] : memref<10112x128xf32, #tpu.memory_space<vmem_shared>> -> memref<40x128xf32, #tpu.memory_space<vmem_shared>>
    tpu.enqueue_dma source(%arg7 : memref<40x128xf32, #tpu.memory_space<vmem>>) target(%dma_start3A_148 : memref<40x128xf32, #tpu.memory_space<vmem_shared>>) target_semaphore(%arg11 : memref<!tpu.dma_semaphore, #tpu.memory_space<semaphore_mem>>)
    %add3A_149 = arith.constant 520 : i32
    %add3A_150 = arith.addi %mul3A_2, %add3A_149 : i32
    %dma_start3A_151 = arith.constant 0 : i32
    %dma_start3A_152 = tpu.memref_slice %arg8[%add3A_150, %dma_start3A_151] : memref<10112x128xf32, #tpu.memory_space<vmem_shared>> -> memref<40x128xf32, #tpu.memory_space<vmem_shared>>
    %dma_start3A_153 = arith.constant 0 : i32
    %dma_start3A_154 = tpu.memref_slice %arg8[%add3A_150, %dma_start3A_153] : memref<10112x128xf32, #tpu.memory_space<vmem_shared>> -> memref<40x128xf32, #tpu.memory_space<vmem_shared>>
    tpu.enqueue_dma source(%arg7 : memref<40x128xf32, #tpu.memory_space<vmem>>) target(%dma_start3A_154 : memref<40x128xf32, #tpu.memory_space<vmem_shared>>) target_semaphore(%arg11 : memref<!tpu.dma_semaphore, #tpu.memory_space<semaphore_mem>>)
    %add3A_155 = arith.constant 560 : i32
    %add3A_156 = arith.addi %mul3A_2, %add3A_155 : i32
    %dma_start3A_157 = arith.constant 0 : i32
    %dma_start3A_158 = tpu.memref_slice %arg8[%add3A_156, %dma_start3A_157] : memref<10112x128xf32, #tpu.memory_space<vmem_shared>> -> memref<40x128xf32, #tpu.memory_space<vmem_shared>>
    %dma_start3A_159 = arith.constant 0 : i32
    %dma_start3A_160 = tpu.memref_slice %arg8[%add3A_156, %dma_start3A_159] : memref<10112x128xf32, #tpu.memory_space<vmem_shared>> -> memref<40x128xf32, #tpu.memory_space<vmem_shared>>
    tpu.enqueue_dma source(%arg7 : memref<40x128xf32, #tpu.memory_space<vmem>>) target(%dma_start3A_160 : memref<40x128xf32, #tpu.memory_space<vmem_shared>>) target_semaphore(%arg11 : memref<!tpu.dma_semaphore, #tpu.memory_space<semaphore_mem>>)
    %add3A_161 = arith.constant 632 : i32
    %add3A_162 = arith.addi %mul3A_2, %add3A_161 : i32
    %sub3A = arith.constant 32 : i32
    %sub3A_163 = arith.subi %add3A_162, %sub3A : i32
    %dma_start3A_164 = arith.constant 0 : i32
    %dma_start3A_165 = arith.constant 0 : i32
    %dma_start3A_166 = tpu.memref_slice %arg7[%dma_start3A_164, %dma_start3A_165] : memref<40x128xf32, #tpu.memory_space<vmem>> -> memref<32x128xf32, #tpu.memory_space<vmem>>
    %dma_start3A_167 = arith.constant 0 : i32
    %dma_start3A_168 = tpu.memref_slice %arg8[%sub3A_163, %dma_start3A_167] : memref<10112x128xf32, #tpu.memory_space<vmem_shared>> -> memref<32x128xf32, #tpu.memory_space<vmem_shared>>
    %dma_start3A_169 = arith.constant 0 : i32
    %dma_start3A_170 = tpu.memref_slice %arg8[%sub3A_163, %dma_start3A_169] : memref<10112x128xf32, #tpu.memory_space<vmem_shared>> -> memref<32x128xf32, #tpu.memory_space<vmem_shared>>
    %dma_start3A_171 = arith.constant 0 : i32
    %dma_start3A_172 = arith.constant 0 : i32
    %dma_start3A_173 = tpu.memref_slice %arg7[%dma_start3A_171, %dma_start3A_172] : memref<40x128xf32, #tpu.memory_space<vmem>> -> memref<32x128xf32, #tpu.memory_space<vmem>>
    tpu.enqueue_dma source(%dma_start3A_173 : memref<32x128xf32, #tpu.memory_space<vmem>>) target(%dma_start3A_170 : memref<32x128xf32, #tpu.memory_space<vmem_shared>>) target_semaphore(%arg11 : memref<!tpu.dma_semaphore, #tpu.memory_space<semaphore_mem>>)
    %dma_wait3A = arith.constant 0 : i32
    %dma_wait3A_174 = tpu.memref_slice %arg8[%mul3A_2, %dma_wait3A] : memref<10112x128xf32, #tpu.memory_space<vmem_shared>> -> memref<40x128xf32, #tpu.memory_space<vmem_shared>>
    %dma_wait3A_175 = arith.constant 0 : i32
    %dma_wait3A_176 = tpu.memref_slice %arg8[%mul3A_2, %dma_wait3A_175] : memref<10112x128xf32, #tpu.memory_space<vmem_shared>> -> memref<40x128xf32, #tpu.memory_space<vmem_shared>>
    tpu.wait_dma2 semaphore(%arg11 : memref<!tpu.dma_semaphore, #tpu.memory_space<semaphore_mem>>) src(%arg7 : memref<40x128xf32, #tpu.memory_space<vmem>>) dst(%dma_wait3A_176 : memref<40x128xf32, #tpu.memory_space<vmem_shared>>)
    %dma_wait3A_177 = arith.constant 0 : i32
    %dma_wait3A_178 = tpu.memref_slice %arg8[%mul3A_2, %dma_wait3A_177] : memref<10112x128xf32, #tpu.memory_space<vmem_shared>> -> memref<40x128xf32, #tpu.memory_space<vmem_shared>>
    %dma_wait3A_179 = arith.constant 0 : i32
    %dma_wait3A_180 = tpu.memref_slice %arg8[%mul3A_2, %dma_wait3A_179] : memref<10112x128xf32, #tpu.memory_space<vmem_shared>> -> memref<40x128xf32, #tpu.memory_space<vmem_shared>>
    tpu.wait_dma2 semaphore(%arg11 : memref<!tpu.dma_semaphore, #tpu.memory_space<semaphore_mem>>) src(%arg7 : memref<40x128xf32, #tpu.memory_space<vmem>>) dst(%dma_wait3A_180 : memref<40x128xf32, #tpu.memory_space<vmem_shared>>)
    %dma_wait3A_181 = arith.constant 0 : i32
    %dma_wait3A_182 = tpu.memref_slice %arg8[%mul3A_2, %dma_wait3A_181] : memref<10112x128xf32, #tpu.memory_space<vmem_shared>> -> memref<40x128xf32, #tpu.memory_space<vmem_shared>>
    %dma_wait3A_183 = arith.constant 0 : i32
    %dma_wait3A_184 = tpu.memref_slice %arg8[%mul3A_2, %dma_wait3A_183] : memref<10112x128xf32, #tpu.memory_space<vmem_shared>> -> memref<40x128xf32, #tpu.memory_space<vmem_shared>>
    tpu.wait_dma2 semaphore(%arg11 : memref<!tpu.dma_semaphore, #tpu.memory_space<semaphore_mem>>) src(%arg7 : memref<40x128xf32, #tpu.memory_space<vmem>>) dst(%dma_wait3A_184 : memref<40x128xf32, #tpu.memory_space<vmem_shared>>)
    %dma_wait3A_185 = arith.constant 0 : i32
    %dma_wait3A_186 = tpu.memref_slice %arg8[%mul3A_2, %dma_wait3A_185] : memref<10112x128xf32, #tpu.memory_space<vmem_shared>> -> memref<40x128xf32, #tpu.memory_space<vmem_shared>>
    %dma_wait3A_187 = arith.constant 0 : i32
    %dma_wait3A_188 = tpu.memref_slice %arg8[%mul3A_2, %dma_wait3A_187] : memref<10112x128xf32, #tpu.memory_space<vmem_shared>> -> memref<40x128xf32, #tpu.memory_space<vmem_shared>>
    tpu.wait_dma2 semaphore(%arg11 : memref<!tpu.dma_semaphore, #tpu.memory_space<semaphore_mem>>) src(%arg7 : memref<40x128xf32, #tpu.memory_space<vmem>>) dst(%dma_wait3A_188 : memref<40x128xf32, #tpu.memory_space<vmem_shared>>)
    %dma_wait3A_189 = arith.constant 0 : i32
    %dma_wait3A_190 = tpu.memref_slice %arg8[%mul3A_2, %dma_wait3A_189] : memref<10112x128xf32, #tpu.memory_space<vmem_shared>> -> memref<40x128xf32, #tpu.memory_space<vmem_shared>>
    %dma_wait3A_191 = arith.constant 0 : i32
    %dma_wait3A_192 = tpu.memref_slice %arg8[%mul3A_2, %dma_wait3A_191] : memref<10112x128xf32, #tpu.memory_space<vmem_shared>> -> memref<40x128xf32, #tpu.memory_space<vmem_shared>>
    tpu.wait_dma2 semaphore(%arg11 : memref<!tpu.dma_semaphore, #tpu.memory_space<semaphore_mem>>) src(%arg7 : memref<40x128xf32, #tpu.memory_space<vmem>>) dst(%dma_wait3A_192 : memref<40x128xf32, #tpu.memory_space<vmem_shared>>)
    %dma_wait3A_193 = arith.constant 0 : i32
    %dma_wait3A_194 = tpu.memref_slice %arg8[%mul3A_2, %dma_wait3A_193] : memref<10112x128xf32, #tpu.memory_space<vmem_shared>> -> memref<40x128xf32, #tpu.memory_space<vmem_shared>>
    %dma_wait3A_195 = arith.constant 0 : i32
    %dma_wait3A_196 = tpu.memref_slice %arg8[%mul3A_2, %dma_wait3A_195] : memref<10112x128xf32, #tpu.memory_space<vmem_shared>> -> memref<40x128xf32, #tpu.memory_space<vmem_shared>>
    tpu.wait_dma2 semaphore(%arg11 : memref<!tpu.dma_semaphore, #tpu.memory_space<semaphore_mem>>) src(%arg7 : memref<40x128xf32, #tpu.memory_space<vmem>>) dst(%dma_wait3A_196 : memref<40x128xf32, #tpu.memory_space<vmem_shared>>)
    %dma_wait3A_197 = arith.constant 0 : i32
    %dma_wait3A_198 = tpu.memref_slice %arg8[%mul3A_2, %dma_wait3A_197] : memref<10112x128xf32, #tpu.memory_space<vmem_shared>> -> memref<40x128xf32, #tpu.memory_space<vmem_shared>>
    %dma_wait3A_199 = arith.constant 0 : i32
    %dma_wait3A_200 = tpu.memref_slice %arg8[%mul3A_2, %dma_wait3A_199] : memref<10112x128xf32, #tpu.memory_space<vmem_shared>> -> memref<40x128xf32, #tpu.memory_space<vmem_shared>>
    tpu.wait_dma2 semaphore(%arg11 : memref<!tpu.dma_semaphore, #tpu.memory_space<semaphore_mem>>) src(%arg7 : memref<40x128xf32, #tpu.memory_space<vmem>>) dst(%dma_wait3A_200 : memref<40x128xf32, #tpu.memory_space<vmem_shared>>)
    %dma_wait3A_201 = arith.constant 0 : i32
    %dma_wait3A_202 = tpu.memref_slice %arg8[%mul3A_2, %dma_wait3A_201] : memref<10112x128xf32, #tpu.memory_space<vmem_shared>> -> memref<40x128xf32, #tpu.memory_space<vmem_shared>>
    %dma_wait3A_203 = arith.constant 0 : i32
    %dma_wait3A_204 = tpu.memref_slice %arg8[%mul3A_2, %dma_wait3A_203] : memref<10112x128xf32, #tpu.memory_space<vmem_shared>> -> memref<40x128xf32, #tpu.memory_space<vmem_shared>>
    tpu.wait_dma2 semaphore(%arg11 : memref<!tpu.dma_semaphore, #tpu.memory_space<semaphore_mem>>) src(%arg7 : memref<40x128xf32, #tpu.memory_space<vmem>>) dst(%dma_wait3A_204 : memref<40x128xf32, #tpu.memory_space<vmem_shared>>)
    %dma_wait3A_205 = arith.constant 0 : i32
    %dma_wait3A_206 = tpu.memref_slice %arg8[%mul3A_2, %dma_wait3A_205] : memref<10112x128xf32, #tpu.memory_space<vmem_shared>> -> memref<40x128xf32, #tpu.memory_space<vmem_shared>>
    %dma_wait3A_207 = arith.constant 0 : i32
    %dma_wait3A_208 = tpu.memref_slice %arg8[%mul3A_2, %dma_wait3A_207] : memref<10112x128xf32, #tpu.memory_space<vmem_shared>> -> memref<40x128xf32, #tpu.memory_space<vmem_shared>>
    tpu.wait_dma2 semaphore(%arg11 : memref<!tpu.dma_semaphore, #tpu.memory_space<semaphore_mem>>) src(%arg7 : memref<40x128xf32, #tpu.memory_space<vmem>>) dst(%dma_wait3A_208 : memref<40x128xf32, #tpu.memory_space<vmem_shared>>)
    %dma_wait3A_209 = arith.constant 0 : i32
    %dma_wait3A_210 = tpu.memref_slice %arg8[%mul3A_2, %dma_wait3A_209] : memref<10112x128xf32, #tpu.memory_space<vmem_shared>> -> memref<40x128xf32, #tpu.memory_space<vmem_shared>>
    %dma_wait3A_211 = arith.constant 0 : i32
    %dma_wait3A_212 = tpu.memref_slice %arg8[%mul3A_2, %dma_wait3A_211] : memref<10112x128xf32, #tpu.memory_space<vmem_shared>> -> memref<40x128xf32, #tpu.memory_space<vmem_shared>>
    tpu.wait_dma2 semaphore(%arg11 : memref<!tpu.dma_semaphore, #tpu.memory_space<semaphore_mem>>) src(%arg7 : memref<40x128xf32, #tpu.memory_space<vmem>>) dst(%dma_wait3A_212 : memref<40x128xf32, #tpu.memory_space<vmem_shared>>)
    %dma_wait3A_213 = arith.constant 0 : i32
    %dma_wait3A_214 = tpu.memref_slice %arg8[%mul3A_2, %dma_wait3A_213] : memref<10112x128xf32, #tpu.memory_space<vmem_shared>> -> memref<40x128xf32, #tpu.memory_space<vmem_shared>>
    %dma_wait3A_215 = arith.constant 0 : i32
    %dma_wait3A_216 = tpu.memref_slice %arg8[%mul3A_2, %dma_wait3A_215] : memref<10112x128xf32, #tpu.memory_space<vmem_shared>> -> memref<40x128xf32, #tpu.memory_space<vmem_shared>>
    tpu.wait_dma2 semaphore(%arg11 : memref<!tpu.dma_semaphore, #tpu.memory_space<semaphore_mem>>) src(%arg7 : memref<40x128xf32, #tpu.memory_space<vmem>>) dst(%dma_wait3A_216 : memref<40x128xf32, #tpu.memory_space<vmem_shared>>)
    %dma_wait3A_217 = arith.constant 0 : i32
    %dma_wait3A_218 = tpu.memref_slice %arg8[%mul3A_2, %dma_wait3A_217] : memref<10112x128xf32, #tpu.memory_space<vmem_shared>> -> memref<40x128xf32, #tpu.memory_space<vmem_shared>>
    %dma_wait3A_219 = arith.constant 0 : i32
    %dma_wait3A_220 = tpu.memref_slice %arg8[%mul3A_2, %dma_wait3A_219] : memref<10112x128xf32, #tpu.memory_space<vmem_shared>> -> memref<40x128xf32, #tpu.memory_space<vmem_shared>>
    tpu.wait_dma2 semaphore(%arg11 : memref<!tpu.dma_semaphore, #tpu.memory_space<semaphore_mem>>) src(%arg7 : memref<40x128xf32, #tpu.memory_space<vmem>>) dst(%dma_wait3A_220 : memref<40x128xf32, #tpu.memory_space<vmem_shared>>)
    %dma_wait3A_221 = arith.constant 0 : i32
    %dma_wait3A_222 = tpu.memref_slice %arg8[%mul3A_2, %dma_wait3A_221] : memref<10112x128xf32, #tpu.memory_space<vmem_shared>> -> memref<40x128xf32, #tpu.memory_space<vmem_shared>>
    %dma_wait3A_223 = arith.constant 0 : i32
    %dma_wait3A_224 = tpu.memref_slice %arg8[%mul3A_2, %dma_wait3A_223] : memref<10112x128xf32, #tpu.memory_space<vmem_shared>> -> memref<40x128xf32, #tpu.memory_space<vmem_shared>>
    tpu.wait_dma2 semaphore(%arg11 : memref<!tpu.dma_semaphore, #tpu.memory_space<semaphore_mem>>) src(%arg7 : memref<40x128xf32, #tpu.memory_space<vmem>>) dst(%dma_wait3A_224 : memref<40x128xf32, #tpu.memory_space<vmem_shared>>)
    %dma_wait3A_225 = arith.constant 0 : i32
    %dma_wait3A_226 = tpu.memref_slice %arg8[%mul3A_2, %dma_wait3A_225] : memref<10112x128xf32, #tpu.memory_space<vmem_shared>> -> memref<40x128xf32, #tpu.memory_space<vmem_shared>>
    %dma_wait3A_227 = arith.constant 0 : i32
    %dma_wait3A_228 = tpu.memref_slice %arg8[%mul3A_2, %dma_wait3A_227] : memref<10112x128xf32, #tpu.memory_space<vmem_shared>> -> memref<40x128xf32, #tpu.memory_space<vmem_shared>>
    tpu.wait_dma2 semaphore(%arg11 : memref<!tpu.dma_semaphore, #tpu.memory_space<semaphore_mem>>) src(%arg7 : memref<40x128xf32, #tpu.memory_space<vmem>>) dst(%dma_wait3A_228 : memref<40x128xf32, #tpu.memory_space<vmem_shared>>)
    %dma_wait3A_229 = arith.constant 0 : i32
    %dma_wait3A_230 = tpu.memref_slice %arg8[%mul3A_2, %dma_wait3A_229] : memref<10112x128xf32, #tpu.memory_space<vmem_shared>> -> memref<40x128xf32, #tpu.memory_space<vmem_shared>>
    %dma_wait3A_231 = arith.constant 0 : i32
    %dma_wait3A_232 = tpu.memref_slice %arg8[%mul3A_2, %dma_wait3A_231] : memref<10112x128xf32, #tpu.memory_space<vmem_shared>> -> memref<40x128xf32, #tpu.memory_space<vmem_shared>>
    tpu.wait_dma2 semaphore(%arg11 : memref<!tpu.dma_semaphore, #tpu.memory_space<semaphore_mem>>) src(%arg7 : memref<40x128xf32, #tpu.memory_space<vmem>>) dst(%dma_wait3A_232 : memref<40x128xf32, #tpu.memory_space<vmem_shared>>)
    %dma_wait3A_233 = arith.constant 0 : i32
    %dma_wait3A_234 = arith.constant 0 : i32
    %dma_wait3A_235 = tpu.memref_slice %arg7[%dma_wait3A_233, %dma_wait3A_234] : memref<40x128xf32, #tpu.memory_space<vmem>> -> memref<32x128xf32, #tpu.memory_space<vmem>>
    %dma_wait3A_236 = arith.constant 0 : i32
    %dma_wait3A_237 = tpu.memref_slice %arg8[%mul3A_2, %dma_wait3A_236] : memref<10112x128xf32, #tpu.memory_space<vmem_shared>> -> memref<32x128xf32, #tpu.memory_space<vmem_shared>>
    %dma_wait3A_238 = arith.constant 0 : i32
    %dma_wait3A_239 = tpu.memref_slice %arg8[%mul3A_2, %dma_wait3A_238] : memref<10112x128xf32, #tpu.memory_space<vmem_shared>> -> memref<32x128xf32, #tpu.memory_space<vmem_shared>>
    %dma_wait3A_240 = arith.constant 0 : i32
    %dma_wait3A_241 = arith.constant 0 : i32
    %dma_wait3A_242 = tpu.memref_slice %arg7[%dma_wait3A_240, %dma_wait3A_241] : memref<40x128xf32, #tpu.memory_space<vmem>> -> memref<32x128xf32, #tpu.memory_space<vmem>>
    tpu.wait_dma2 semaphore(%arg11 : memref<!tpu.dma_semaphore, #tpu.memory_space<semaphore_mem>>) src(%dma_wait3A_242 : memref<32x128xf32, #tpu.memory_space<vmem>>) dst(%dma_wait3A_239 : memref<32x128xf32, #tpu.memory_space<vmem_shared>>)
    %barrier3A = arith.constant 0 : index
    tpu.barrier barrier_id(%barrier3A)
    %scan3A_243 = arith.constant 0 : i32
    %scan3A_244 = arith.constant 0 : i32
    %scan3A_245 = arith.constant 19 : i32
    %scan3A_246 = arith.addi %scan3A_244, %scan3A_245 : i32
    %scan3A_247 = arith.constant 1 : i32
    scf.for %scan3A_292 = %scan3A_244 to %scan3A_246 step %scan3A_247  : i32 {
      %mul3A_293 = arith.constant 2 : i32
      %mul3A_294 = arith.muli %mul3A_293, %scan3A_292 : i32
      %add3A_295 = arith.constant 0 : i32
      %add3A_296 = arith.addi %mul3A_294, %add3A_295 : i32
      %dma_wait3A_297 = arith.constant 0 : i32
      %dma_wait3A_298 = arith.constant 0 : i32
      %dma_wait3A_299 = arith.constant 0 : i32
      %dma_wait3A_300 = tpu.memref_slice %arg5[%dma_wait3A_297, %dma_wait3A_298, %dma_wait3A_299] : memref<2x2x128xi32, #tpu.memory_space<vmem>> -> memref<1x2x128xi32, #tpu.memory_space<vmem>>
      %dma_wait3A_301 = tpu.memref_squeeze %dma_wait3A_300 : memref<1x2x128xi32, #tpu.memory_space<vmem>> -> memref<2x128xi32, #tpu.memory_space<vmem>>
      %dma_wait3A_302 = arith.constant 0 : i32
      %dma_wait3A_303 = arith.constant 0 : i32
      %dma_wait3A_304 = tpu.memref_slice %arg3[%dma_wait3A_302, %dma_wait3A_303] : memref<2x160000xi32, #tpu.memory_space<hbm>> -> memref<2x128xi32, #tpu.memory_space<hbm>>
      %dma_wait3A_305 = arith.constant 0 : i32
      %dma_wait3A_306 = arith.constant 0 : i32
      %dma_wait3A_307 = tpu.memref_slice %arg5[%dma_wait3A_297, %dma_wait3A_305, %dma_wait3A_306] : memref<2x2x128xi32, #tpu.memory_space<vmem>> -> memref<1x2x128xi32, #tpu.memory_space<vmem>>
      %dma_wait3A_308 = tpu.memref_squeeze %dma_wait3A_307 : memref<1x2x128xi32, #tpu.memory_space<vmem>> -> memref<2x128xi32, #tpu.memory_space<vmem>>
      %dma_wait3A_309 = arith.constant 0 : i32
      %dma_wait3A_310 = arith.constant 0 : i32
      %dma_wait3A_311 = tpu.memref_slice %arg3[%dma_wait3A_309, %dma_wait3A_310] : memref<2x160000xi32, #tpu.memory_space<hbm>> -> memref<2x128xi32, #tpu.memory_space<hbm>>
      tpu.wait_dma2 semaphore(%arg9 : memref<!tpu.dma_semaphore, #tpu.memory_space<semaphore_mem>>) src(%dma_wait3A_311 : memref<2x128xi32, #tpu.memory_space<hbm>>) dst(%dma_wait3A_308 : memref<2x128xi32, #tpu.memory_space<vmem>>)
      %dma_wait3A_312 = arith.constant 0 : i32
      %dma_wait3A_313 = arith.constant 0 : i32
      %dma_wait3A_314 = arith.constant 0 : i32
      %dma_wait3A_315 = tpu.memref_slice %arg6[%dma_wait3A_312, %dma_wait3A_313, %dma_wait3A_314] : memref<2x128x128xf32, #tpu.memory_space<vmem>> -> memref<1x128x128xf32, #tpu.memory_space<vmem>>
      %dma_wait3A_316 = tpu.memref_squeeze %dma_wait3A_315 : memref<1x128x128xf32, #tpu.memory_space<vmem>> -> memref<128x128xf32, #tpu.memory_space<vmem>>
      %dma_wait3A_317 = arith.constant 0 : i32
      %dma_wait3A_318 = arith.constant 0 : i32
      %dma_wait3A_319 = tpu.memref_slice %arg2[%dma_wait3A_317, %dma_wait3A_318] : memref<160000x128xf32, #tpu.memory_space<hbm>> -> memref<128x128xf32, #tpu.memory_space<hbm>>
      %dma_wait3A_320 = arith.constant 0 : i32
      %dma_wait3A_321 = arith.constant 0 : i32
      %dma_wait3A_322 = tpu.memref_slice %arg6[%dma_wait3A_312, %dma_wait3A_320, %dma_wait3A_321] : memref<2x128x128xf32, #tpu.memory_space<vmem>> -> memref<1x128x128xf32, #tpu.memory_space<vmem>>
      %dma_wait3A_323 = tpu.memref_squeeze %dma_wait3A_322 : memref<1x128x128xf32, #tpu.memory_space<vmem>> -> memref<128x128xf32, #tpu.memory_space<vmem>>
      %dma_wait3A_324 = arith.constant 0 : i32
      %dma_wait3A_325 = arith.constant 0 : i32
      %dma_wait3A_326 = tpu.memref_slice %arg2[%dma_wait3A_324, %dma_wait3A_325] : memref<160000x128xf32, #tpu.memory_space<hbm>> -> memref<128x128xf32, #tpu.memory_space<hbm>>
      tpu.wait_dma2 semaphore(%arg9 : memref<!tpu.dma_semaphore, #tpu.memory_space<semaphore_mem>>) src(%dma_wait3A_326 : memref<128x128xf32, #tpu.memory_space<hbm>>) dst(%dma_wait3A_323 : memref<128x128xf32, #tpu.memory_space<vmem>>)
      %run_scoped3A_327 = arith.constant 0 : i32
      %run_scoped3A_328 = arith.constant 0 : i32
      %run_scoped3A_329 = arith.constant 1 : i32
      "tpu.region"() ({
        %run_scoped3A_381 = tpu.sem_alloc : memref<!tpu.dma_semaphore, #tpu.memory_space<semaphore_mem>>
        %dma_start3A_382 = arith.constant 0 : i32
        %dma_start3A_383 = arith.constant 0 : i32
        %dma_start3A_384 = tpu.memref_slice %arg6[%run_scoped3A_327, %dma_start3A_382, %dma_start3A_383] : memref<2x128x128xf32, #tpu.memory_space<vmem>> -> memref<1x128x128xf32, #tpu.memory_space<vmem>>
        %dma_start3A_385 = tpu.memref_squeeze %dma_start3A_384 : memref<1x128x128xf32, #tpu.memory_space<vmem>> -> memref<128x128xf32, #tpu.memory_space<vmem>>
        %dma_start3A_386 = arith.constant 0 : i32
        %dma_start3A_387 = tpu.memref_slice %arg5[%run_scoped3A_328, %run_scoped3A_329, %dma_start3A_386] : memref<2x2x128xi32, #tpu.memory_space<vmem>> -> memref<1x1x128xi32, #tpu.memory_space<vmem>>
        %dma_start3A_388 = tpu.memref_squeeze %dma_start3A_387 : memref<1x1x128xi32, #tpu.memory_space<vmem>> -> memref<128xi32, #tpu.memory_space<vmem>>
        %dma_start3A_389 = arith.constant 0 : i32
        %dma_start3A_390 = arith.constant 0 : i32
        %dma_start3A_391 = tpu.memref_slice %arg8[%dma_start3A_389, %dma_start3A_390] : memref<10112x128xf32, #tpu.memory_space<vmem_shared>> -> memref<10112x128xf32, #tpu.memory_space<vmem_shared>>
        tpu.enqueue_indirect_dma source(%dma_start3A_385 : memref<128x128xf32, #tpu.memory_space<vmem>>) target(%dma_start3A_391 : memref<10112x128xf32, #tpu.memory_space<vmem_shared>>) offsets(%dma_start3A_388 : memref<128xi32, #tpu.memory_space<vmem>>) semaphore(%run_scoped3A_381 : memref<!tpu.dma_semaphore, #tpu.memory_space<semaphore_mem>>) {add = true}
        %dma_wait3A_392 = arith.constant 0 : i32
        %dma_wait3A_393 = arith.constant 0 : i32
        %dma_wait3A_394 = tpu.memref_slice %arg6[%run_scoped3A_327, %dma_wait3A_392, %dma_wait3A_393] : memref<2x128x128xf32, #tpu.memory_space<vmem>> -> memref<1x128x128xf32, #tpu.memory_space<vmem>>
        %dma_wait3A_395 = tpu.memref_squeeze %dma_wait3A_394 : memref<1x128x128xf32, #tpu.memory_space<vmem>> -> memref<128x128xf32, #tpu.memory_space<vmem>>
        %dma_wait3A_396 = arith.constant 0 : i32
        %dma_wait3A_397 = tpu.memref_slice %arg5[%run_scoped3A_328, %run_scoped3A_329, %dma_wait3A_396] : memref<2x2x128xi32, #tpu.memory_space<vmem>> -> memref<1x1x128xi32, #tpu.memory_space<vmem>>
        %dma_wait3A_398 = tpu.memref_squeeze %dma_wait3A_397 : memref<1x1x128xi32, #tpu.memory_space<vmem>> -> memref<128xi32, #tpu.memory_space<vmem>>
        %dma_wait3A_399 = arith.constant 0 : i32
        %dma_wait3A_400 = arith.constant 0 : i32
        %dma_wait3A_401 = tpu.memref_slice %arg8[%dma_wait3A_399, %dma_wait3A_400] : memref<10112x128xf32, #tpu.memory_space<vmem_shared>> -> memref<10112x128xf32, #tpu.memory_space<vmem_shared>>
        tpu.wait_indirect_dma semaphore(%run_scoped3A_381 : memref<!tpu.dma_semaphore, #tpu.memory_space<semaphore_mem>>) src(%dma_wait3A_395 : memref<128x128xf32, #tpu.memory_space<vmem>>) dst(%dma_wait3A_401 : memref<10112x128xf32, #tpu.memory_space<vmem_shared>>)
        tpu.yield
      }) : () -> ()
      %add3A_330 = arith.constant 2 : i32
      %add3A_331 = arith.addi %add3A_296, %add3A_330 : i32
      %lt3A_332 = arith.constant 39 : i32
      %lt3A_333 = arith.cmpi slt, %add3A_331, %lt3A_332 : i32
      %convert_element_type3A_334 = arith.extui %lt3A_333 : i1 to i32
      %cond3A_335 = arith.constant 0 : i32
      %cond3A_336 = arith.cmpi ne, %convert_element_type3A_334, %cond3A_335 : i32
      scf.if %cond3A_336 {
        %add3A_381 = arith.constant 2 : i32
        %add3A_382 = arith.addi %add3A_296, %add3A_381 : i32
        %mul3A_383 = arith.constant 32 : i32
        %mul3A_384 = arith.muli %add3A_382, %mul3A_383 : i32
        %add3A_385 = arith.addi %mul3A_384, %add3A : i32
        %mul3A_386 = arith.constant 128 : i32
        %mul3A_387 = arith.muli %add3A_385, %mul3A_386 : i32
        %dma_start3A_388 = arith.constant 0 : i32
        %dma_start3A_389 = arith.constant 0 : i32
        %dma_start3A_390 = arith.constant 0 : i32
        %dma_start3A_391 = tpu.memref_slice %arg5[%dma_start3A_388, %dma_start3A_389, %dma_start3A_390] : memref<2x2x128xi32, #tpu.memory_space<vmem>> -> memref<1x2x128xi32, #tpu.memory_space<vmem>>
        %dma_start3A_392 = tpu.memref_squeeze %dma_start3A_391 : memref<1x2x128xi32, #tpu.memory_space<vmem>> -> memref<2x128xi32, #tpu.memory_space<vmem>>
        %dma_start3A_393 = arith.constant 0 : i32
        %dma_start3A_394 = tpu.memref_slice %arg3[%dma_start3A_393, %mul3A_387] : memref<2x160000xi32, #tpu.memory_space<hbm>> -> memref<2x128xi32, #tpu.memory_space<hbm>>
        %dma_start3A_395 = arith.constant 0 : i32
        %dma_start3A_396 = arith.constant 0 : i32
        %dma_start3A_397 = tpu.memref_slice %arg5[%dma_start3A_388, %dma_start3A_395, %dma_start3A_396] : memref<2x2x128xi32, #tpu.memory_space<vmem>> -> memref<1x2x128xi32, #tpu.memory_space<vmem>>
        %dma_start3A_398 = tpu.memref_squeeze %dma_start3A_397 : memref<1x2x128xi32, #tpu.memory_space<vmem>> -> memref<2x128xi32, #tpu.memory_space<vmem>>
        %dma_start3A_399 = arith.constant 0 : i32
        %dma_start3A_400 = tpu.memref_slice %arg3[%dma_start3A_399, %mul3A_387] : memref<2x160000xi32, #tpu.memory_space<hbm>> -> memref<2x128xi32, #tpu.memory_space<hbm>>
        tpu.enqueue_dma source(%dma_start3A_400 : memref<2x128xi32, #tpu.memory_space<hbm>>) target(%dma_start3A_398 : memref<2x128xi32, #tpu.memory_space<vmem>>) target_semaphore(%arg9 : memref<!tpu.dma_semaphore, #tpu.memory_space<semaphore_mem>>)
        %mul3A_401 = arith.constant 128 : i32
        %mul3A_402 = arith.muli %add3A_385, %mul3A_401 : i32
        %dma_start3A_403 = arith.constant 0 : i32
        %dma_start3A_404 = arith.constant 0 : i32
        %dma_start3A_405 = arith.constant 0 : i32
        %dma_start3A_406 = tpu.memref_slice %arg6[%dma_start3A_403, %dma_start3A_404, %dma_start3A_405] : memref<2x128x128xf32, #tpu.memory_space<vmem>> -> memref<1x128x128xf32, #tpu.memory_space<vmem>>
        %dma_start3A_407 = tpu.memref_squeeze %dma_start3A_406 : memref<1x128x128xf32, #tpu.memory_space<vmem>> -> memref<128x128xf32, #tpu.memory_space<vmem>>
        %dma_start3A_408 = arith.constant 0 : i32
        %dma_start3A_409 = tpu.memref_slice %arg2[%mul3A_402, %dma_start3A_408] : memref<160000x128xf32, #tpu.memory_space<hbm>> -> memref<128x128xf32, #tpu.memory_space<hbm>>
        %dma_start3A_410 = arith.constant 0 : i32
        %dma_start3A_411 = arith.constant 0 : i32
        %dma_start3A_412 = tpu.memref_slice %arg6[%dma_start3A_403, %dma_start3A_410, %dma_start3A_411] : memref<2x128x128xf32, #tpu.memory_space<vmem>> -> memref<1x128x128xf32, #tpu.memory_space<vmem>>
        %dma_start3A_413 = tpu.memref_squeeze %dma_start3A_412 : memref<1x128x128xf32, #tpu.memory_space<vmem>> -> memref<128x128xf32, #tpu.memory_space<vmem>>
        %dma_start3A_414 = arith.constant 0 : i32
        %dma_start3A_415 = tpu.memref_slice %arg2[%mul3A_402, %dma_start3A_414] : memref<160000x128xf32, #tpu.memory_space<hbm>> -> memref<128x128xf32, #tpu.memory_space<hbm>>
        tpu.enqueue_dma source(%dma_start3A_415 : memref<128x128xf32, #tpu.memory_space<hbm>>) target(%dma_start3A_413 : memref<128x128xf32, #tpu.memory_space<vmem>>) target_semaphore(%arg9 : memref<!tpu.dma_semaphore, #tpu.memory_space<semaphore_mem>>)
      } else {
      }
      %mul3A_337 = arith.constant 2 : i32
      %mul3A_338 = arith.muli %mul3A_337, %scan3A_292 : i32
      %add3A_339 = arith.constant 1 : i32
      %add3A_340 = arith.addi %mul3A_338, %add3A_339 : i32
      %dma_wait3A_341 = arith.constant 1 : i32
      %dma_wait3A_342 = arith.constant 0 : i32
      %dma_wait3A_343 = arith.constant 0 : i32
      %dma_wait3A_344 = tpu.memref_slice %arg5[%dma_wait3A_341, %dma_wait3A_342, %dma_wait3A_343] : memref<2x2x128xi32, #tpu.memory_space<vmem>> -> memref<1x2x128xi32, #tpu.memory_space<vmem>>
      %dma_wait3A_345 = tpu.memref_squeeze %dma_wait3A_344 : memref<1x2x128xi32, #tpu.memory_space<vmem>> -> memref<2x128xi32, #tpu.memory_space<vmem>>
      %dma_wait3A_346 = arith.constant 0 : i32
      %dma_wait3A_347 = arith.constant 0 : i32
      %dma_wait3A_348 = tpu.memref_slice %arg3[%dma_wait3A_346, %dma_wait3A_347] : memref<2x160000xi32, #tpu.memory_space<hbm>> -> memref<2x128xi32, #tpu.memory_space<hbm>>
      %dma_wait3A_349 = arith.constant 0 : i32
      %dma_wait3A_350 = arith.constant 0 : i32
      %dma_wait3A_351 = tpu.memref_slice %arg5[%dma_wait3A_341, %dma_wait3A_349, %dma_wait3A_350] : memref<2x2x128xi32, #tpu.memory_space<vmem>> -> memref<1x2x128xi32, #tpu.memory_space<vmem>>
      %dma_wait3A_352 = tpu.memref_squeeze %dma_wait3A_351 : memref<1x2x128xi32, #tpu.memory_space<vmem>> -> memref<2x128xi32, #tpu.memory_space<vmem>>
      %dma_wait3A_353 = arith.constant 0 : i32
      %dma_wait3A_354 = arith.constant 0 : i32
      %dma_wait3A_355 = tpu.memref_slice %arg3[%dma_wait3A_353, %dma_wait3A_354] : memref<2x160000xi32, #tpu.memory_space<hbm>> -> memref<2x128xi32, #tpu.memory_space<hbm>>
      tpu.wait_dma2 semaphore(%arg10 : memref<!tpu.dma_semaphore, #tpu.memory_space<semaphore_mem>>) src(%dma_wait3A_355 : memref<2x128xi32, #tpu.memory_space<hbm>>) dst(%dma_wait3A_352 : memref<2x128xi32, #tpu.memory_space<vmem>>)
      %dma_wait3A_356 = arith.constant 1 : i32
      %dma_wait3A_357 = arith.constant 0 : i32
      %dma_wait3A_358 = arith.constant 0 : i32
      %dma_wait3A_359 = tpu.memref_slice %arg6[%dma_wait3A_356, %dma_wait3A_357, %dma_wait3A_358] : memref<2x128x128xf32, #tpu.memory_space<vmem>> -> memref<1x128x128xf32, #tpu.memory_space<vmem>>
      %dma_wait3A_360 = tpu.memref_squeeze %dma_wait3A_359 : memref<1x128x128xf32, #tpu.memory_space<vmem>> -> memref<128x128xf32, #tpu.memory_space<vmem>>
      %dma_wait3A_361 = arith.constant 0 : i32
      %dma_wait3A_362 = arith.constant 0 : i32
      %dma_wait3A_363 = tpu.memref_slice %arg2[%dma_wait3A_361, %dma_wait3A_362] : memref<160000x128xf32, #tpu.memory_space<hbm>> -> memref<128x128xf32, #tpu.memory_space<hbm>>
      %dma_wait3A_364 = arith.constant 0 : i32
      %dma_wait3A_365 = arith.constant 0 : i32
      %dma_wait3A_366 = tpu.memref_slice %arg6[%dma_wait3A_356, %dma_wait3A_364, %dma_wait3A_365] : memref<2x128x128xf32, #tpu.memory_space<vmem>> -> memref<1x128x128xf32, #tpu.memory_space<vmem>>
      %dma_wait3A_367 = tpu.memref_squeeze %dma_wait3A_366 : memref<1x128x128xf32, #tpu.memory_space<vmem>> -> memref<128x128xf32, #tpu.memory_space<vmem>>
      %dma_wait3A_368 = arith.constant 0 : i32
      %dma_wait3A_369 = arith.constant 0 : i32
      %dma_wait3A_370 = tpu.memref_slice %arg2[%dma_wait3A_368, %dma_wait3A_369] : memref<160000x128xf32, #tpu.memory_space<hbm>> -> memref<128x128xf32, #tpu.memory_space<hbm>>
      tpu.wait_dma2 semaphore(%arg10 : memref<!tpu.dma_semaphore, #tpu.memory_space<semaphore_mem>>) src(%dma_wait3A_370 : memref<128x128xf32, #tpu.memory_space<hbm>>) dst(%dma_wait3A_367 : memref<128x128xf32, #tpu.memory_space<vmem>>)
      %run_scoped3A_371 = arith.constant 1 : i32
      %run_scoped3A_372 = arith.constant 1 : i32
      %run_scoped3A_373 = arith.constant 1 : i32
      "tpu.region"() ({
        %run_scoped3A_381 = tpu.sem_alloc : memref<!tpu.dma_semaphore, #tpu.memory_space<semaphore_mem>>
        %dma_start3A_382 = arith.constant 0 : i32
        %dma_start3A_383 = arith.constant 0 : i32
        %dma_start3A_384 = tpu.memref_slice %arg6[%run_scoped3A_371, %dma_start3A_382, %dma_start3A_383] : memref<2x128x128xf32, #tpu.memory_space<vmem>> -> memref<1x128x128xf32, #tpu.memory_space<vmem>>
        %dma_start3A_385 = tpu.memref_squeeze %dma_start3A_384 : memref<1x128x128xf32, #tpu.memory_space<vmem>> -> memref<128x128xf32, #tpu.memory_space<vmem>>
        %dma_start3A_386 = arith.constant 0 : i32
        %dma_start3A_387 = tpu.memref_slice %arg5[%run_scoped3A_372, %run_scoped3A_373, %dma_start3A_386] : memref<2x2x128xi32, #tpu.memory_space<vmem>> -> memref<1x1x128xi32, #tpu.memory_space<vmem>>
        %dma_start3A_388 = tpu.memref_squeeze %dma_start3A_387 : memref<1x1x128xi32, #tpu.memory_space<vmem>> -> memref<128xi32, #tpu.memory_space<vmem>>
        %dma_start3A_389 = arith.constant 0 : i32
        %dma_start3A_390 = arith.constant 0 : i32
        %dma_start3A_391 = tpu.memref_slice %arg8[%dma_start3A_389, %dma_start3A_390] : memref<10112x128xf32, #tpu.memory_space<vmem_shared>> -> memref<10112x128xf32, #tpu.memory_space<vmem_shared>>
        tpu.enqueue_indirect_dma source(%dma_start3A_385 : memref<128x128xf32, #tpu.memory_space<vmem>>) target(%dma_start3A_391 : memref<10112x128xf32, #tpu.memory_space<vmem_shared>>) offsets(%dma_start3A_388 : memref<128xi32, #tpu.memory_space<vmem>>) semaphore(%run_scoped3A_381 : memref<!tpu.dma_semaphore, #tpu.memory_space<semaphore_mem>>) {add = true}
        %dma_wait3A_392 = arith.constant 0 : i32
        %dma_wait3A_393 = arith.constant 0 : i32
        %dma_wait3A_394 = tpu.memref_slice %arg6[%run_scoped3A_371, %dma_wait3A_392, %dma_wait3A_393] : memref<2x128x128xf32, #tpu.memory_space<vmem>> -> memref<1x128x128xf32, #tpu.memory_space<vmem>>
        %dma_wait3A_395 = tpu.memref_squeeze %dma_wait3A_394 : memref<1x128x128xf32, #tpu.memory_space<vmem>> -> memref<128x128xf32, #tpu.memory_space<vmem>>
        %dma_wait3A_396 = arith.constant 0 : i32
        %dma_wait3A_397 = tpu.memref_slice %arg5[%run_scoped3A_372, %run_scoped3A_373, %dma_wait3A_396] : memref<2x2x128xi32, #tpu.memory_space<vmem>> -> memref<1x1x128xi32, #tpu.memory_space<vmem>>
        %dma_wait3A_398 = tpu.memref_squeeze %dma_wait3A_397 : memref<1x1x128xi32, #tpu.memory_space<vmem>> -> memref<128xi32, #tpu.memory_space<vmem>>
        %dma_wait3A_399 = arith.constant 0 : i32
        %dma_wait3A_400 = arith.constant 0 : i32
        %dma_wait3A_401 = tpu.memref_slice %arg8[%dma_wait3A_399, %dma_wait3A_400] : memref<10112x128xf32, #tpu.memory_space<vmem_shared>> -> memref<10112x128xf32, #tpu.memory_space<vmem_shared>>
        tpu.wait_indirect_dma semaphore(%run_scoped3A_381 : memref<!tpu.dma_semaphore, #tpu.memory_space<semaphore_mem>>) src(%dma_wait3A_395 : memref<128x128xf32, #tpu.memory_space<vmem>>) dst(%dma_wait3A_401 : memref<10112x128xf32, #tpu.memory_space<vmem_shared>>)
        tpu.yield
      }) : () -> ()
      %add3A_374 = arith.constant 2 : i32
      %add3A_375 = arith.addi %add3A_340, %add3A_374 : i32
      %lt3A_376 = arith.constant 39 : i32
      %lt3A_377 = arith.cmpi slt, %add3A_375, %lt3A_376 : i32
      %convert_element_type3A_378 = arith.extui %lt3A_377 : i1 to i32
      %cond3A_379 = arith.constant 0 : i32
      %cond3A_380 = arith.cmpi ne, %convert_element_type3A_378, %cond3A_379 : i32
      scf.if %cond3A_380 {
        %add3A_381 = arith.constant 2 : i32
        %add3A_382 = arith.addi %add3A_340, %add3A_381 : i32
        %mul3A_383 = arith.constant 32 : i32
        %mul3A_384 = arith.muli %add3A_382, %mul3A_383 : i32
        %add3A_385 = arith.addi %mul3A_384, %add3A : i32
        %mul3A_386 = arith.constant 128 : i32
        %mul3A_387 = arith.muli %add3A_385, %mul3A_386 : i32
        %dma_start3A_388 = arith.constant 1 : i32
        %dma_start3A_389 = arith.constant 0 : i32
        %dma_start3A_390 = arith.constant 0 : i32
        %dma_start3A_391 = tpu.memref_slice %arg5[%dma_start3A_388, %dma_start3A_389, %dma_start3A_390] : memref<2x2x128xi32, #tpu.memory_space<vmem>> -> memref<1x2x128xi32, #tpu.memory_space<vmem>>
        %dma_start3A_392 = tpu.memref_squeeze %dma_start3A_391 : memref<1x2x128xi32, #tpu.memory_space<vmem>> -> memref<2x128xi32, #tpu.memory_space<vmem>>
        %dma_start3A_393 = arith.constant 0 : i32
        %dma_start3A_394 = tpu.memref_slice %arg3[%dma_start3A_393, %mul3A_387] : memref<2x160000xi32, #tpu.memory_space<hbm>> -> memref<2x128xi32, #tpu.memory_space<hbm>>
        %dma_start3A_395 = arith.constant 0 : i32
        %dma_start3A_396 = arith.constant 0 : i32
        %dma_start3A_397 = tpu.memref_slice %arg5[%dma_start3A_388, %dma_start3A_395, %dma_start3A_396] : memref<2x2x128xi32, #tpu.memory_space<vmem>> -> memref<1x2x128xi32, #tpu.memory_space<vmem>>
        %dma_start3A_398 = tpu.memref_squeeze %dma_start3A_397 : memref<1x2x128xi32, #tpu.memory_space<vmem>> -> memref<2x128xi32, #tpu.memory_space<vmem>>
        %dma_start3A_399 = arith.constant 0 : i32
        %dma_start3A_400 = tpu.memref_slice %arg3[%dma_start3A_399, %mul3A_387] : memref<2x160000xi32, #tpu.memory_space<hbm>> -> memref<2x128xi32, #tpu.memory_space<hbm>>
        tpu.enqueue_dma source(%dma_start3A_400 : memref<2x128xi32, #tpu.memory_space<hbm>>) target(%dma_start3A_398 : memref<2x128xi32, #tpu.memory_space<vmem>>) target_semaphore(%arg10 : memref<!tpu.dma_semaphore, #tpu.memory_space<semaphore_mem>>)
        %mul3A_401 = arith.constant 128 : i32
        %mul3A_402 = arith.muli %add3A_385, %mul3A_401 : i32
        %dma_start3A_403 = arith.constant 1 : i32
        %dma_start3A_404 = arith.constant 0 : i32
        %dma_start3A_405 = arith.constant 0 : i32
        %dma_start3A_406 = tpu.memref_slice %arg6[%dma_start3A_403, %dma_start3A_404, %dma_start3A_405] : memref<2x128x128xf32, #tpu.memory_space<vmem>> -> memref<1x128x128xf32, #tpu.memory_space<vmem>>
        %dma_start3A_407 = tpu.memref_squeeze %dma_start3A_406 : memref<1x128x128xf32, #tpu.memory_space<vmem>> -> memref<128x128xf32, #tpu.memory_space<vmem>>
        %dma_start3A_408 = arith.constant 0 : i32
        %dma_start3A_409 = tpu.memref_slice %arg2[%mul3A_402, %dma_start3A_408] : memref<160000x128xf32, #tpu.memory_space<hbm>> -> memref<128x128xf32, #tpu.memory_space<hbm>>
        %dma_start3A_410 = arith.constant 0 : i32
        %dma_start3A_411 = arith.constant 0 : i32
        %dma_start3A_412 = tpu.memref_slice %arg6[%dma_start3A_403, %dma_start3A_410, %dma_start3A_411] : memref<2x128x128xf32, #tpu.memory_space<vmem>> -> memref<1x128x128xf32, #tpu.memory_space<vmem>>
        %dma_start3A_413 = tpu.memref_squeeze %dma_start3A_412 : memref<1x128x128xf32, #tpu.memory_space<vmem>> -> memref<128x128xf32, #tpu.memory_space<vmem>>
        %dma_start3A_414 = arith.constant 0 : i32
        %dma_start3A_415 = tpu.memref_slice %arg2[%mul3A_402, %dma_start3A_414] : memref<160000x128xf32, #tpu.memory_space<hbm>> -> memref<128x128xf32, #tpu.memory_space<hbm>>
        tpu.enqueue_dma source(%dma_start3A_415 : memref<128x128xf32, #tpu.memory_space<hbm>>) target(%dma_start3A_413 : memref<128x128xf32, #tpu.memory_space<vmem>>) target_semaphore(%arg10 : memref<!tpu.dma_semaphore, #tpu.memory_space<semaphore_mem>>)
      } else {
      }
    }
    %scan3A_248 = arith.constant 19 : i32
    %lt3A = arith.constant 2 : i32
    %lt3A_249 = arith.cmpi slt, %add3A, %lt3A : i32
    %convert_element_type3A = arith.extui %lt3A_249 : i1 to i32
    %cond3A = arith.constant 0 : i32
    %cond3A_250 = arith.cmpi ne, %convert_element_type3A, %cond3A : i32
    scf.if %cond3A_250 {
      %add3A_292 = arith.constant 1248 : i32
      %add3A_293 = arith.addi %add3A_292, %add3A : i32
      %mul3A_294 = arith.constant 128 : i32
      %mul3A_295 = arith.muli %add3A_293, %mul3A_294 : i32
      %dma_start3A_296 = arith.constant 1 : i32
      %dma_start3A_297 = arith.constant 0 : i32
      %dma_start3A_298 = arith.constant 0 : i32
      %dma_start3A_299 = tpu.memref_slice %arg5[%dma_start3A_296, %dma_start3A_297, %dma_start3A_298] : memref<2x2x128xi32, #tpu.memory_space<vmem>> -> memref<1x2x128xi32, #tpu.memory_space<vmem>>
      %dma_start3A_300 = tpu.memref_squeeze %dma_start3A_299 : memref<1x2x128xi32, #tpu.memory_space<vmem>> -> memref<2x128xi32, #tpu.memory_space<vmem>>
      %dma_start3A_301 = arith.constant 0 : i32
      %dma_start3A_302 = tpu.memref_slice %arg3[%dma_start3A_301, %mul3A_295] : memref<2x160000xi32, #tpu.memory_space<hbm>> -> memref<2x128xi32, #tpu.memory_space<hbm>>
      %dma_start3A_303 = arith.constant 0 : i32
      %dma_start3A_304 = arith.constant 0 : i32
      %dma_start3A_305 = tpu.memref_slice %arg5[%dma_start3A_296, %dma_start3A_303, %dma_start3A_304] : memref<2x2x128xi32, #tpu.memory_space<vmem>> -> memref<1x2x128xi32, #tpu.memory_space<vmem>>
      %dma_start3A_306 = tpu.memref_squeeze %dma_start3A_305 : memref<1x2x128xi32, #tpu.memory_space<vmem>> -> memref<2x128xi32, #tpu.memory_space<vmem>>
      %dma_start3A_307 = arith.constant 0 : i32
      %dma_start3A_308 = tpu.memref_slice %arg3[%dma_start3A_307, %mul3A_295] : memref<2x160000xi32, #tpu.memory_space<hbm>> -> memref<2x128xi32, #tpu.memory_space<hbm>>
      tpu.enqueue_dma source(%dma_start3A_308 : memref<2x128xi32, #tpu.memory_space<hbm>>) target(%dma_start3A_306 : memref<2x128xi32, #tpu.memory_space<vmem>>) target_semaphore(%arg10 : memref<!tpu.dma_semaphore, #tpu.memory_space<semaphore_mem>>)
      %mul3A_309 = arith.constant 128 : i32
      %mul3A_310 = arith.muli %add3A_293, %mul3A_309 : i32
      %dma_start3A_311 = arith.constant 1 : i32
      %dma_start3A_312 = arith.constant 0 : i32
      %dma_start3A_313 = arith.constant 0 : i32
      %dma_start3A_314 = tpu.memref_slice %arg6[%dma_start3A_311, %dma_start3A_312, %dma_start3A_313] : memref<2x128x128xf32, #tpu.memory_space<vmem>> -> memref<1x128x128xf32, #tpu.memory_space<vmem>>
      %dma_start3A_315 = tpu.memref_squeeze %dma_start3A_314 : memref<1x128x128xf32, #tpu.memory_space<vmem>> -> memref<128x128xf32, #tpu.memory_space<vmem>>
      %dma_start3A_316 = arith.constant 0 : i32
      %dma_start3A_317 = tpu.memref_slice %arg2[%mul3A_310, %dma_start3A_316] : memref<160000x128xf32, #tpu.memory_space<hbm>> -> memref<128x128xf32, #tpu.memory_space<hbm>>
      %dma_start3A_318 = arith.constant 0 : i32
      %dma_start3A_319 = arith.constant 0 : i32
      %dma_start3A_320 = tpu.memref_slice %arg6[%dma_start3A_311, %dma_start3A_318, %dma_start3A_319] : memref<2x128x128xf32, #tpu.memory_space<vmem>> -> memref<1x128x128xf32, #tpu.memory_space<vmem>>
      %dma_start3A_321 = tpu.memref_squeeze %dma_start3A_320 : memref<1x128x128xf32, #tpu.memory_space<vmem>> -> memref<128x128xf32, #tpu.memory_space<vmem>>
      %dma_start3A_322 = arith.constant 0 : i32
      %dma_start3A_323 = tpu.memref_slice %arg2[%mul3A_310, %dma_start3A_322] : memref<160000x128xf32, #tpu.memory_space<hbm>> -> memref<128x128xf32, #tpu.memory_space<hbm>>
      tpu.enqueue_dma source(%dma_start3A_323 : memref<128x128xf32, #tpu.memory_space<hbm>>) target(%dma_start3A_321 : memref<128x128xf32, #tpu.memory_space<vmem>>) target_semaphore(%arg10 : memref<!tpu.dma_semaphore, #tpu.memory_space<semaphore_mem>>)
    } else {
    }
    %dma_wait3A_251 = arith.constant 0 : i32
    %dma_wait3A_252 = arith.constant 0 : i32
    %dma_wait3A_253 = arith.constant 0 : i32
    %dma_wait3A_254 = tpu.memref_slice %arg5[%dma_wait3A_251, %dma_wait3A_252, %dma_wait3A_253] : memref<2x2x128xi32, #tpu.memory_space<vmem>> -> memref<1x2x128xi32, #tpu.memory_space<vmem>>
    %dma_wait3A_255 = tpu.memref_squeeze %dma_wait3A_254 : memref<1x2x128xi32, #tpu.memory_space<vmem>> -> memref<2x128xi32, #tpu.memory_space<vmem>>
    %dma_wait3A_256 = arith.constant 0 : i32
    %dma_wait3A_257 = arith.constant 0 : i32
    %dma_wait3A_258 = tpu.memref_slice %arg3[%dma_wait3A_256, %dma_wait3A_257] : memref<2x160000xi32, #tpu.memory_space<hbm>> -> memref<2x128xi32, #tpu.memory_space<hbm>>
    %dma_wait3A_259 = arith.constant 0 : i32
    %dma_wait3A_260 = arith.constant 0 : i32
    %dma_wait3A_261 = tpu.memref_slice %arg5[%dma_wait3A_251, %dma_wait3A_259, %dma_wait3A_260] : memref<2x2x128xi32, #tpu.memory_space<vmem>> -> memref<1x2x128xi32, #tpu.memory_space<vmem>>
    %dma_wait3A_262 = tpu.memref_squeeze %dma_wait3A_261 : memref<1x2x128xi32, #tpu.memory_space<vmem>> -> memref<2x128xi32, #tpu.memory_space<vmem>>
    %dma_wait3A_263 = arith.constant 0 : i32
    %dma_wait3A_264 = arith.constant 0 : i32
    %dma_wait3A_265 = tpu.memref_slice %arg3[%dma_wait3A_263, %dma_wait3A_264] : memref<2x160000xi32, #tpu.memory_space<hbm>> -> memref<2x128xi32, #tpu.memory_space<hbm>>
    tpu.wait_dma2 semaphore(%arg9 : memref<!tpu.dma_semaphore, #tpu.memory_space<semaphore_mem>>) src(%dma_wait3A_265 : memref<2x128xi32, #tpu.memory_space<hbm>>) dst(%dma_wait3A_262 : memref<2x128xi32, #tpu.memory_space<vmem>>)
    %dma_wait3A_266 = arith.constant 0 : i32
    %dma_wait3A_267 = arith.constant 0 : i32
    %dma_wait3A_268 = arith.constant 0 : i32
    %dma_wait3A_269 = tpu.memref_slice %arg6[%dma_wait3A_266, %dma_wait3A_267, %dma_wait3A_268] : memref<2x128x128xf32, #tpu.memory_space<vmem>> -> memref<1x128x128xf32, #tpu.memory_space<vmem>>
    %dma_wait3A_270 = tpu.memref_squeeze %dma_wait3A_269 : memref<1x128x128xf32, #tpu.memory_space<vmem>> -> memref<128x128xf32, #tpu.memory_space<vmem>>
    %dma_wait3A_271 = arith.constant 0 : i32
    %dma_wait3A_272 = arith.constant 0 : i32
    %dma_wait3A_273 = tpu.memref_slice %arg2[%dma_wait3A_271, %dma_wait3A_272] : memref<160000x128xf32, #tpu.memory_space<hbm>> -> memref<128x128xf32, #tpu.memory_space<hbm>>
    %dma_wait3A_274 = arith.constant 0 : i32
    %dma_wait3A_275 = arith.constant 0 : i32
    %dma_wait3A_276 = tpu.memref_slice %arg6[%dma_wait3A_266, %dma_wait3A_274, %dma_wait3A_275] : memref<2x128x128xf32, #tpu.memory_space<vmem>> -> memref<1x128x128xf32, #tpu.memory_space<vmem>>
    %dma_wait3A_277 = tpu.memref_squeeze %dma_wait3A_276 : memref<1x128x128xf32, #tpu.memory_space<vmem>> -> memref<128x128xf32, #tpu.memory_space<vmem>>
    %dma_wait3A_278 = arith.constant 0 : i32
    %dma_wait3A_279 = arith.constant 0 : i32
    %dma_wait3A_280 = tpu.memref_slice %arg2[%dma_wait3A_278, %dma_wait3A_279] : memref<160000x128xf32, #tpu.memory_space<hbm>> -> memref<128x128xf32, #tpu.memory_space<hbm>>
    tpu.wait_dma2 semaphore(%arg9 : memref<!tpu.dma_semaphore, #tpu.memory_space<semaphore_mem>>) src(%dma_wait3A_280 : memref<128x128xf32, #tpu.memory_space<hbm>>) dst(%dma_wait3A_277 : memref<128x128xf32, #tpu.memory_space<vmem>>)
    %run_scoped3A = arith.constant 0 : i32
    %run_scoped3A_281 = arith.constant 0 : i32
    %run_scoped3A_282 = arith.constant 1 : i32
    "tpu.region"() ({
      %run_scoped3A_292 = tpu.sem_alloc : memref<!tpu.dma_semaphore, #tpu.memory_space<semaphore_mem>>
      %dma_start3A_293 = arith.constant 0 : i32
      %dma_start3A_294 = arith.constant 0 : i32
      %dma_start3A_295 = tpu.memref_slice %arg6[%run_scoped3A, %dma_start3A_293, %dma_start3A_294] : memref<2x128x128xf32, #tpu.memory_space<vmem>> -> memref<1x128x128xf32, #tpu.memory_space<vmem>>
      %dma_start3A_296 = tpu.memref_squeeze %dma_start3A_295 : memref<1x128x128xf32, #tpu.memory_space<vmem>> -> memref<128x128xf32, #tpu.memory_space<vmem>>
      %dma_start3A_297 = arith.constant 0 : i32
      %dma_start3A_298 = tpu.memref_slice %arg5[%run_scoped3A_281, %run_scoped3A_282, %dma_start3A_297] : memref<2x2x128xi32, #tpu.memory_space<vmem>> -> memref<1x1x128xi32, #tpu.memory_space<vmem>>
      %dma_start3A_299 = tpu.memref_squeeze %dma_start3A_298 : memref<1x1x128xi32, #tpu.memory_space<vmem>> -> memref<128xi32, #tpu.memory_space<vmem>>
      %dma_start3A_300 = arith.constant 0 : i32
      %dma_start3A_301 = arith.constant 0 : i32
      %dma_start3A_302 = tpu.memref_slice %arg8[%dma_start3A_300, %dma_start3A_301] : memref<10112x128xf32, #tpu.memory_space<vmem_shared>> -> memref<10112x128xf32, #tpu.memory_space<vmem_shared>>
      tpu.enqueue_indirect_dma source(%dma_start3A_296 : memref<128x128xf32, #tpu.memory_space<vmem>>) target(%dma_start3A_302 : memref<10112x128xf32, #tpu.memory_space<vmem_shared>>) offsets(%dma_start3A_299 : memref<128xi32, #tpu.memory_space<vmem>>) semaphore(%run_scoped3A_292 : memref<!tpu.dma_semaphore, #tpu.memory_space<semaphore_mem>>) {add = true}
      %dma_wait3A_303 = arith.constant 0 : i32
      %dma_wait3A_304 = arith.constant 0 : i32
      %dma_wait3A_305 = tpu.memref_slice %arg6[%run_scoped3A, %dma_wait3A_303, %dma_wait3A_304] : memref<2x128x128xf32, #tpu.memory_space<vmem>> -> memref<1x128x128xf32, #tpu.memory_space<vmem>>
      %dma_wait3A_306 = tpu.memref_squeeze %dma_wait3A_305 : memref<1x128x128xf32, #tpu.memory_space<vmem>> -> memref<128x128xf32, #tpu.memory_space<vmem>>
      %dma_wait3A_307 = arith.constant 0 : i32
      %dma_wait3A_308 = tpu.memref_slice %arg5[%run_scoped3A_281, %run_scoped3A_282, %dma_wait3A_307] : memref<2x2x128xi32, #tpu.memory_space<vmem>> -> memref<1x1x128xi32, #tpu.memory_space<vmem>>
      %dma_wait3A_309 = tpu.memref_squeeze %dma_wait3A_308 : memref<1x1x128xi32, #tpu.memory_space<vmem>> -> memref<128xi32, #tpu.memory_space<vmem>>
      %dma_wait3A_310 = arith.constant 0 : i32
      %dma_wait3A_311 = arith.constant 0 : i32
      %dma_wait3A_312 = tpu.memref_slice %arg8[%dma_wait3A_310, %dma_wait3A_311] : memref<10112x128xf32, #tpu.memory_space<vmem_shared>> -> memref<10112x128xf32, #tpu.memory_space<vmem_shared>>
      tpu.wait_indirect_dma semaphore(%run_scoped3A_292 : memref<!tpu.dma_semaphore, #tpu.memory_space<semaphore_mem>>) src(%dma_wait3A_306 : memref<128x128xf32, #tpu.memory_space<vmem>>) dst(%dma_wait3A_312 : memref<10112x128xf32, #tpu.memory_space<vmem_shared>>)
      tpu.yield
    }) : () -> ()
    %lt3A_283 = arith.constant 2 : i32
    %lt3A_284 = arith.cmpi slt, %add3A, %lt3A_283 : i32
    %convert_element_type3A_285 = arith.extui %lt3A_284 : i1 to i32
    %cond3A_286 = arith.constant 0 : i32
    %cond3A_287 = arith.cmpi ne, %convert_element_type3A_285, %cond3A_286 : i32
    scf.if %cond3A_287 {
      %dma_wait3A_292 = arith.constant 1 : i32
      %dma_wait3A_293 = arith.constant 0 : i32
      %dma_wait3A_294 = arith.constant 0 : i32
      %dma_wait3A_295 = tpu.memref_slice %arg5[%dma_wait3A_292, %dma_wait3A_293, %dma_wait3A_294] : memref<2x2x128xi32, #tpu.memory_space<vmem>> -> memref<1x2x128xi32, #tpu.memory_space<vmem>>
      %dma_wait3A_296 = tpu.memref_squeeze %dma_wait3A_295 : memref<1x2x128xi32, #tpu.memory_space<vmem>> -> memref<2x128xi32, #tpu.memory_space<vmem>>
      %dma_wait3A_297 = arith.constant 0 : i32
      %dma_wait3A_298 = arith.constant 0 : i32
      %dma_wait3A_299 = tpu.memref_slice %arg3[%dma_wait3A_297, %dma_wait3A_298] : memref<2x160000xi32, #tpu.memory_space<hbm>> -> memref<2x128xi32, #tpu.memory_space<hbm>>
      %dma_wait3A_300 = arith.constant 0 : i32
      %dma_wait3A_301 = arith.constant 0 : i32
      %dma_wait3A_302 = tpu.memref_slice %arg5[%dma_wait3A_292, %dma_wait3A_300, %dma_wait3A_301] : memref<2x2x128xi32, #tpu.memory_space<vmem>> -> memref<1x2x128xi32, #tpu.memory_space<vmem>>
      %dma_wait3A_303 = tpu.memref_squeeze %dma_wait3A_302 : memref<1x2x128xi32, #tpu.memory_space<vmem>> -> memref<2x128xi32, #tpu.memory_space<vmem>>
      %dma_wait3A_304 = arith.constant 0 : i32
      %dma_wait3A_305 = arith.constant 0 : i32
      %dma_wait3A_306 = tpu.memref_slice %arg3[%dma_wait3A_304, %dma_wait3A_305] : memref<2x160000xi32, #tpu.memory_space<hbm>> -> memref<2x128xi32, #tpu.memory_space<hbm>>
      tpu.wait_dma2 semaphore(%arg10 : memref<!tpu.dma_semaphore, #tpu.memory_space<semaphore_mem>>) src(%dma_wait3A_306 : memref<2x128xi32, #tpu.memory_space<hbm>>) dst(%dma_wait3A_303 : memref<2x128xi32, #tpu.memory_space<vmem>>)
      %dma_wait3A_307 = arith.constant 1 : i32
      %dma_wait3A_308 = arith.constant 0 : i32
      %dma_wait3A_309 = arith.constant 0 : i32
      %dma_wait3A_310 = tpu.memref_slice %arg6[%dma_wait3A_307, %dma_wait3A_308, %dma_wait3A_309] : memref<2x128x128xf32, #tpu.memory_space<vmem>> -> memref<1x128x128xf32, #tpu.memory_space<vmem>>
      %dma_wait3A_311 = tpu.memref_squeeze %dma_wait3A_310 : memref<1x128x128xf32, #tpu.memory_space<vmem>> -> memref<128x128xf32, #tpu.memory_space<vmem>>
      %dma_wait3A_312 = arith.constant 0 : i32
      %dma_wait3A_313 = arith.constant 0 : i32
      %dma_wait3A_314 = tpu.memref_slice %arg2[%dma_wait3A_312, %dma_wait3A_313] : memref<160000x128xf32, #tpu.memory_space<hbm>> -> memref<128x128xf32, #tpu.memory_space<hbm>>
      %dma_wait3A_315 = arith.constant 0 : i32
      %dma_wait3A_316 = arith.constant 0 : i32
      %dma_wait3A_317 = tpu.memref_slice %arg6[%dma_wait3A_307, %dma_wait3A_315, %dma_wait3A_316] : memref<2x128x128xf32, #tpu.memory_space<vmem>> -> memref<1x128x128xf32, #tpu.memory_space<vmem>>
      %dma_wait3A_318 = tpu.memref_squeeze %dma_wait3A_317 : memref<1x128x128xf32, #tpu.memory_space<vmem>> -> memref<128x128xf32, #tpu.memory_space<vmem>>
      %dma_wait3A_319 = arith.constant 0 : i32
      %dma_wait3A_320 = arith.constant 0 : i32
      %dma_wait3A_321 = tpu.memref_slice %arg2[%dma_wait3A_319, %dma_wait3A_320] : memref<160000x128xf32, #tpu.memory_space<hbm>> -> memref<128x128xf32, #tpu.memory_space<hbm>>
      tpu.wait_dma2 semaphore(%arg10 : memref<!tpu.dma_semaphore, #tpu.memory_space<semaphore_mem>>) src(%dma_wait3A_321 : memref<128x128xf32, #tpu.memory_space<hbm>>) dst(%dma_wait3A_318 : memref<128x128xf32, #tpu.memory_space<vmem>>)
      %run_scoped3A_322 = arith.constant 1 : i32
      %run_scoped3A_323 = arith.constant 1 : i32
      %run_scoped3A_324 = arith.constant 1 : i32
      "tpu.region"() ({
        %run_scoped3A_325 = tpu.sem_alloc : memref<!tpu.dma_semaphore, #tpu.memory_space<semaphore_mem>>
        %dma_start3A_326 = arith.constant 0 : i32
        %dma_start3A_327 = arith.constant 0 : i32
        %dma_start3A_328 = tpu.memref_slice %arg6[%run_scoped3A_322, %dma_start3A_326, %dma_start3A_327] : memref<2x128x128xf32, #tpu.memory_space<vmem>> -> memref<1x128x128xf32, #tpu.memory_space<vmem>>
        %dma_start3A_329 = tpu.memref_squeeze %dma_start3A_328 : memref<1x128x128xf32, #tpu.memory_space<vmem>> -> memref<128x128xf32, #tpu.memory_space<vmem>>
        %dma_start3A_330 = arith.constant 0 : i32
        %dma_start3A_331 = tpu.memref_slice %arg5[%run_scoped3A_323, %run_scoped3A_324, %dma_start3A_330] : memref<2x2x128xi32, #tpu.memory_space<vmem>> -> memref<1x1x128xi32, #tpu.memory_space<vmem>>
        %dma_start3A_332 = tpu.memref_squeeze %dma_start3A_331 : memref<1x1x128xi32, #tpu.memory_space<vmem>> -> memref<128xi32, #tpu.memory_space<vmem>>
        %dma_start3A_333 = arith.constant 0 : i32
        %dma_start3A_334 = arith.constant 0 : i32
        %dma_start3A_335 = tpu.memref_slice %arg8[%dma_start3A_333, %dma_start3A_334] : memref<10112x128xf32, #tpu.memory_space<vmem_shared>> -> memref<10112x128xf32, #tpu.memory_space<vmem_shared>>
        tpu.enqueue_indirect_dma source(%dma_start3A_329 : memref<128x128xf32, #tpu.memory_space<vmem>>) target(%dma_start3A_335 : memref<10112x128xf32, #tpu.memory_space<vmem_shared>>) offsets(%dma_start3A_332 : memref<128xi32, #tpu.memory_space<vmem>>) semaphore(%run_scoped3A_325 : memref<!tpu.dma_semaphore, #tpu.memory_space<semaphore_mem>>) {add = true}
        %dma_wait3A_336 = arith.constant 0 : i32
        %dma_wait3A_337 = arith.constant 0 : i32
        %dma_wait3A_338 = tpu.memref_slice %arg6[%run_scoped3A_322, %dma_wait3A_336, %dma_wait3A_337] : memref<2x128x128xf32, #tpu.memory_space<vmem>> -> memref<1x128x128xf32, #tpu.memory_space<vmem>>
        %dma_wait3A_339 = tpu.memref_squeeze %dma_wait3A_338 : memref<1x128x128xf32, #tpu.memory_space<vmem>> -> memref<128x128xf32, #tpu.memory_space<vmem>>
        %dma_wait3A_340 = arith.constant 0 : i32
        %dma_wait3A_341 = tpu.memref_slice %arg5[%run_scoped3A_323, %run_scoped3A_324, %dma_wait3A_340] : memref<2x2x128xi32, #tpu.memory_space<vmem>> -> memref<1x1x128xi32, #tpu.memory_space<vmem>>
        %dma_wait3A_342 = tpu.memref_squeeze %dma_wait3A_341 : memref<1x1x128xi32, #tpu.memory_space<vmem>> -> memref<128xi32, #tpu.memory_space<vmem>>
        %dma_wait3A_343 = arith.constant 0 : i32
        %dma_wait3A_344 = arith.constant 0 : i32
        %dma_wait3A_345 = tpu.memref_slice %arg8[%dma_wait3A_343, %dma_wait3A_344] : memref<10112x128xf32, #tpu.memory_space<vmem_shared>> -> memref<10112x128xf32, #tpu.memory_space<vmem_shared>>
        tpu.wait_indirect_dma semaphore(%run_scoped3A_325 : memref<!tpu.dma_semaphore, #tpu.memory_space<semaphore_mem>>) src(%dma_wait3A_339 : memref<128x128xf32, #tpu.memory_space<vmem>>) dst(%dma_wait3A_345 : memref<10112x128xf32, #tpu.memory_space<vmem_shared>>)
        tpu.yield
      }) : () -> ()
    } else {
    }
    %barrier3A_288 = arith.constant 0 : index
    tpu.barrier barrier_id(%barrier3A_288)
    %mul3A_289 = arith.constant 12000 : i32
    %mul3A_290 = arith.muli %arg0, %mul3A_289 : i32
    %add3A_291 = arith.addi %mul3A_290, %mul3A_2 : i32
    "tpu.region"() ({
      %run_scoped3A_292 = tpu.sem_alloc : memref<!tpu.dma_semaphore, #tpu.memory_space<semaphore_mem>>
      %dma_start3A_293 = arith.constant 0 : i32
      %dma_start3A_294 = tpu.memref_slice %arg4[%add3A_291, %dma_start3A_293] : memref<22112x128xf32, #tpu.memory_space<hbm>> -> memref<632x128xf32, #tpu.memory_space<hbm>>
      %dma_start3A_295 = arith.constant 0 : i32
      %dma_start3A_296 = tpu.memref_slice %arg8[%mul3A_2, %dma_start3A_295] : memref<10112x128xf32, #tpu.memory_space<vmem_shared>> -> memref<632x128xf32, #tpu.memory_space<vmem_shared>>
      tpu.enqueue_dma source(%dma_start3A_296 : memref<632x128xf32, #tpu.memory_space<vmem_shared>>) target(%dma_start3A_294 : memref<632x128xf32, #tpu.memory_space<hbm>>) target_semaphore(%run_scoped3A_292 : memref<!tpu.dma_semaphore, #tpu.memory_space<semaphore_mem>>)
      %dma_wait3A_297 = arith.constant 0 : i32
      %dma_wait3A_298 = tpu.memref_slice %arg4[%add3A_291, %dma_wait3A_297] : memref<22112x128xf32, #tpu.memory_space<hbm>> -> memref<632x128xf32, #tpu.memory_space<hbm>>
      %dma_wait3A_299 = arith.constant 0 : i32
      %dma_wait3A_300 = tpu.memref_slice %arg8[%mul3A_2, %dma_wait3A_299] : memref<10112x128xf32, #tpu.memory_space<vmem_shared>> -> memref<632x128xf32, #tpu.memory_space<vmem_shared>>
      tpu.wait_dma2 semaphore(%run_scoped3A_292 : memref<!tpu.dma_semaphore, #tpu.memory_space<semaphore_mem>>) src(%dma_wait3A_300 : memref<632x128xf32, #tpu.memory_space<vmem_shared>>) dst(%dma_wait3A_298 : memref<632x128xf32, #tpu.memory_space<hbm>>)
      tpu.yield
    }) : () -> ()
    return
  }
}

module attributes {stable_mosaic.version = 14 : i64} {
  func.func @_tc_body(%arg0: i32, %arg1: memref<2000x128xf32, #tpu.memory_space<vmem>>, %arg2: memref<2000x128xf32, #tpu.memory_space<vmem>>, %arg3: memref<2000x128xf32, #tpu.memory_space<vmem>>, %arg4: memref<4x128x128xbf16, #tpu.memory_space<vmem>>, %arg5: memref<128x512xbf16, #tpu.memory_space<vmem>>, %arg6: memref<512xf32, #tpu.memory_space<vmem>>, %arg7: memref<4x128x128xbf16, #tpu.memory_space<vmem>>, %arg8: memref<4x128xf32, #tpu.memory_space<vmem>>, %arg9: memref<4x128xf32, #tpu.memory_space<vmem>>, %arg10: memref<4x128xf32, #tpu.memory_space<vmem>>, %arg11: memref<2000x128xf32, #tpu.memory_space<vmem>>) attributes {dimension_semantics = [#tpu.dimension_semantics<arbitrary>], iteration_bounds = array<i64: 5>, scalar_prefetch = 0 : i64, scratch_operands = 0 : i64, tpu.core_type = #tpu.core_type<tc>, window_params = [{transform_indices = @transform_0, window_bounds = array<i64: 2000, 128>}, {transform_indices = @transform_1, window_bounds = array<i64: 2000, 128>}, {transform_indices = @transform_2, window_bounds = array<i64: 2000, 128>}, {pipeline_mode = #tpu.pipeline_mode<synchronous>, transform_indices = @transform_3, window_bounds = array<i64: 4, 128, 128>}, {pipeline_mode = #tpu.pipeline_mode<synchronous>, transform_indices = @transform_4, window_bounds = array<i64: 128, 512>}, {pipeline_mode = #tpu.pipeline_mode<synchronous>, transform_indices = @transform_5, window_bounds = array<i64: 512>}, {pipeline_mode = #tpu.pipeline_mode<synchronous>, transform_indices = @transform_6, window_bounds = array<i64: 4, 128, 128>}, {pipeline_mode = #tpu.pipeline_mode<synchronous>, transform_indices = @transform_7, window_bounds = array<i64: 4, 128>}, {pipeline_mode = #tpu.pipeline_mode<synchronous>, transform_indices = @transform_8, window_bounds = array<i64: 4, 128>}, {pipeline_mode = #tpu.pipeline_mode<synchronous>, transform_indices = @transform_9, window_bounds = array<i64: 4, 128>}, {transform_indices = @transform_10, window_bounds = array<i64: 2000, 128>}]} {
    %get3A = arith.constant 0 : index
    %get3A_0 = arith.constant 0 : index
    %get3A_1 = vector.load %arg1[%get3A, %get3A_0] : memref<2000x128xf32, #tpu.memory_space<vmem>>, vector<2000x128xf32>
    %get3A_2 = arith.constant 0 : index
    %get3A_3 = arith.constant 0 : index
    %get3A_4 = vector.load %arg2[%get3A_2, %get3A_3] : memref<2000x128xf32, #tpu.memory_space<vmem>>, vector<2000x128xf32>
    %get3A_5 = arith.constant 0 : index
    %get3A_6 = arith.constant 0 : index
    %get3A_7 = vector.load %arg3[%get3A_5, %get3A_6] : memref<2000x128xf32, #tpu.memory_space<vmem>>, vector<2000x128xf32>
    %add3A = arith.addf %get3A_4, %get3A_7 : vector<2000x128xf32>
    %convert_element_type3A = arith.truncf %add3A : vector<2000x128xf32> to vector<2000x128xbf16>
    %get3A_8 = arith.constant 0 : index
    %get3A_9 = arith.constant 0 : index
    %get3A_10 = vector.load %arg5[%get3A_8, %get3A_9] : memref<128x512xbf16, #tpu.memory_space<vmem>>, vector<128x512xbf16>
    %dot_general3A = arith.constant dense<0.000000e+00> : vector<2000x512xf32>
    %dot_general3A_11 = tpu.matmul %convert_element_type3A, %get3A_10, %dot_general3A {dimension_numbers = #tpu.dot_dimension_numbers<[1], [0], [0], [1], [0, 0, 1, 1], [], []>, transpose_lhs_hint = false} : vector<2000x128xbf16>, vector<128x512xbf16>, vector<2000x512xf32> -> vector<2000x512xf32>
    %get3A_12 = arith.constant 0 : index
    %get3A_13 = vector.load %arg6[%get3A_12] : memref<512xf32, #tpu.memory_space<vmem>>, vector<512xf32>
    %broadcast_in_dim3A = vector.shape_cast %get3A_13 : vector<512xf32> to vector<1x512xf32>
    %add3A_14 = vector.broadcast %broadcast_in_dim3A : vector<1x512xf32> to vector<2000x512xf32>
    %add3A_15 = arith.addf %dot_general3A_11, %add3A_14 : vector<2000x512xf32>
    %convert_element_type3A_16 = arith.truncf %get3A_1 : vector<2000x128xf32> to vector<2000x128xbf16>
    %get3A_17 = arith.constant 0 : index
    %get3A_18 = arith.constant 0 : index
    %get3A_19 = arith.constant 0 : index
    %get3A_20 = vector.load %arg4[%get3A_17, %get3A_18, %get3A_19] : memref<4x128x128xbf16, #tpu.memory_space<vmem>>, vector<1x128x128xbf16>
    %get3A_21 = vector.shape_cast %get3A_20 : vector<1x128x128xbf16> to vector<128x128xbf16>
    %dot_general3A_22 = arith.constant dense<0.000000e+00> : vector<2000x128xf32>
    %dot_general3A_23 = tpu.matmul %convert_element_type3A_16, %get3A_21, %dot_general3A_22 {dimension_numbers = #tpu.dot_dimension_numbers<[1], [0], [0], [1], [0, 0, 1, 1], [], []>, transpose_lhs_hint = false} : vector<2000x128xbf16>, vector<128x128xbf16>, vector<2000x128xf32> -> vector<2000x128xf32>
    %slice3A = vector.extract_strided_slice %add3A_15 {offsets = [0, 0], sizes = [2000, 128], strides = [1, 1]} : vector<2000x512xf32> to vector<2000x128xf32>
    %add3A_24 = arith.addf %dot_general3A_23, %slice3A : vector<2000x128xf32>
    %max3A = arith.constant 0.000000e+00 : f32
    %max3A_25 = vector.broadcast %max3A : f32 to vector<2000x128xf32>
    %max3A_26 = arith.maximumf %add3A_24, %max3A_25 : vector<2000x128xf32>
    %convert_element_type3A_27 = arith.truncf %max3A_26 : vector<2000x128xf32> to vector<2000x128xbf16>
    %get3A_28 = arith.constant 0 : index
    %get3A_29 = arith.constant 0 : index
    %get3A_30 = arith.constant 0 : index
    %get3A_31 = vector.load %arg7[%get3A_28, %get3A_29, %get3A_30] : memref<4x128x128xbf16, #tpu.memory_space<vmem>>, vector<1x128x128xbf16>
    %get3A_32 = vector.shape_cast %get3A_31 : vector<1x128x128xbf16> to vector<128x128xbf16>
    %dot_general3A_33 = arith.constant dense<0.000000e+00> : vector<2000x128xf32>
    %dot_general3A_34 = tpu.matmul %convert_element_type3A_27, %get3A_32, %dot_general3A_33 {dimension_numbers = #tpu.dot_dimension_numbers<[1], [0], [0], [1], [0, 0, 1, 1], [], []>, transpose_lhs_hint = false} : vector<2000x128xbf16>, vector<128x128xbf16>, vector<2000x128xf32> -> vector<2000x128xf32>
    %get3A_35 = arith.constant 0 : index
    %get3A_36 = arith.constant 0 : index
    %get3A_37 = vector.load %arg8[%get3A_35, %get3A_36] : memref<4x128xf32, #tpu.memory_space<vmem>>, vector<1x128xf32>
    %get3A_38 = vector.shape_cast %get3A_37 : vector<1x128xf32> to vector<128xf32>
    %broadcast_in_dim3A_39 = vector.shape_cast %get3A_38 : vector<128xf32> to vector<1x128xf32>
    %add3A_40 = vector.broadcast %broadcast_in_dim3A_39 : vector<1x128xf32> to vector<2000x128xf32>
    %add3A_41 = arith.addf %dot_general3A_34, %add3A_40 : vector<2000x128xf32>
    %reduce_sum3A = arith.constant dense<0.000000e+00> : vector<2000xf32>
    %reduce_sum3A_42 = vector.multi_reduction <add>, %add3A_41, %reduce_sum3A [1] : vector<2000x128xf32> to vector<2000xf32>
    %broadcast_in_dim3A_43 = vector.shape_cast %reduce_sum3A_42 : vector<2000xf32> to vector<2000x1xf32>
    %div3A = arith.constant 1.280000e+02 : f32
    %div3A_44 = vector.broadcast %div3A : f32 to vector<2000x1xf32>
    %div3A_45 = arith.divf %broadcast_in_dim3A_43, %div3A_44 : vector<2000x1xf32>
    %mul3A = arith.mulf %add3A_41, %add3A_41 : vector<2000x128xf32>
    %reduce_sum3A_46 = arith.constant dense<0.000000e+00> : vector<2000xf32>
    %reduce_sum3A_47 = vector.multi_reduction <add>, %mul3A, %reduce_sum3A_46 [1] : vector<2000x128xf32> to vector<2000xf32>
    %broadcast_in_dim3A_48 = vector.shape_cast %reduce_sum3A_47 : vector<2000xf32> to vector<2000x1xf32>
    %div3A_49 = arith.constant 1.280000e+02 : f32
    %div3A_50 = vector.broadcast %div3A_49 : f32 to vector<2000x1xf32>
    %div3A_51 = arith.divf %broadcast_in_dim3A_48, %div3A_50 : vector<2000x1xf32>
    %mul3A_52 = arith.mulf %div3A_45, %div3A_45 : vector<2000x1xf32>
    %sub3A = arith.subf %div3A_51, %mul3A_52 : vector<2000x1xf32>
    %add3A_53 = arith.constant 9.99999974E-6 : f32
    %add3A_54 = vector.broadcast %add3A_53 : f32 to vector<2000x1xf32>
    %add3A_55 = arith.addf %sub3A, %add3A_54 : vector<2000x1xf32>
    %rsqrt3A = math.rsqrt %add3A_55 : vector<2000x1xf32>
    %get3A_56 = arith.constant 0 : index
    %get3A_57 = arith.constant 0 : index
    %get3A_58 = vector.load %arg9[%get3A_56, %get3A_57] : memref<4x128xf32, #tpu.memory_space<vmem>>, vector<1x128xf32>
    %get3A_59 = vector.shape_cast %get3A_58 : vector<1x128xf32> to vector<128xf32>
    %broadcast_in_dim3A_60 = vector.shape_cast %get3A_59 : vector<128xf32> to vector<1x128xf32>
    %mul3A_61 = vector.broadcast %rsqrt3A : vector<2000x1xf32> to vector<2000x128xf32>
    %mul3A_62 = vector.broadcast %broadcast_in_dim3A_60 : vector<1x128xf32> to vector<2000x128xf32>
    %mul3A_63 = arith.mulf %mul3A_61, %mul3A_62 : vector<2000x128xf32>
    %sub3A_64 = vector.broadcast %div3A_45 : vector<2000x1xf32> to vector<2000x128xf32>
    %sub3A_65 = arith.subf %add3A_41, %sub3A_64 : vector<2000x128xf32>
    %mul3A_66 = arith.mulf %sub3A_65, %mul3A_63 : vector<2000x128xf32>
    %get3A_67 = arith.constant 0 : index
    %get3A_68 = arith.constant 0 : index
    %get3A_69 = vector.load %arg10[%get3A_67, %get3A_68] : memref<4x128xf32, #tpu.memory_space<vmem>>, vector<1x128xf32>
    %get3A_70 = vector.shape_cast %get3A_69 : vector<1x128xf32> to vector<128xf32>
    %broadcast_in_dim3A_71 = vector.shape_cast %get3A_70 : vector<128xf32> to vector<1x128xf32>
    %add3A_72 = vector.broadcast %broadcast_in_dim3A_71 : vector<1x128xf32> to vector<2000x128xf32>
    %add3A_73 = arith.addf %mul3A_66, %add3A_72 : vector<2000x128xf32>
    %add3A_74 = arith.addf %add3A_73, %get3A_1 : vector<2000x128xf32>
    %convert_element_type3A_75 = arith.truncf %add3A_74 : vector<2000x128xf32> to vector<2000x128xbf16>
    %get3A_76 = arith.constant 1 : index
    %get3A_77 = arith.constant 0 : index
    %get3A_78 = arith.constant 0 : index
    %get3A_79 = vector.load %arg4[%get3A_76, %get3A_77, %get3A_78] : memref<4x128x128xbf16, #tpu.memory_space<vmem>>, vector<1x128x128xbf16>
    %get3A_80 = vector.shape_cast %get3A_79 : vector<1x128x128xbf16> to vector<128x128xbf16>
    %dot_general3A_81 = arith.constant dense<0.000000e+00> : vector<2000x128xf32>
    %dot_general3A_82 = tpu.matmul %convert_element_type3A_75, %get3A_80, %dot_general3A_81 {dimension_numbers = #tpu.dot_dimension_numbers<[1], [0], [0], [1], [0, 0, 1, 1], [], []>, transpose_lhs_hint = false} : vector<2000x128xbf16>, vector<128x128xbf16>, vector<2000x128xf32> -> vector<2000x128xf32>
    %slice3A_83 = vector.extract_strided_slice %add3A_15 {offsets = [0, 128], sizes = [2000, 128], strides = [1, 1]} : vector<2000x512xf32> to vector<2000x128xf32>
    %add3A_84 = arith.addf %dot_general3A_82, %slice3A_83 : vector<2000x128xf32>
    %max3A_85 = arith.constant 0.000000e+00 : f32
    %max3A_86 = vector.broadcast %max3A_85 : f32 to vector<2000x128xf32>
    %max3A_87 = arith.maximumf %add3A_84, %max3A_86 : vector<2000x128xf32>
    %convert_element_type3A_88 = arith.truncf %max3A_87 : vector<2000x128xf32> to vector<2000x128xbf16>
    %get3A_89 = arith.constant 1 : index
    %get3A_90 = arith.constant 0 : index
    %get3A_91 = arith.constant 0 : index
    %get3A_92 = vector.load %arg7[%get3A_89, %get3A_90, %get3A_91] : memref<4x128x128xbf16, #tpu.memory_space<vmem>>, vector<1x128x128xbf16>
    %get3A_93 = vector.shape_cast %get3A_92 : vector<1x128x128xbf16> to vector<128x128xbf16>
    %dot_general3A_94 = arith.constant dense<0.000000e+00> : vector<2000x128xf32>
    %dot_general3A_95 = tpu.matmul %convert_element_type3A_88, %get3A_93, %dot_general3A_94 {dimension_numbers = #tpu.dot_dimension_numbers<[1], [0], [0], [1], [0, 0, 1, 1], [], []>, transpose_lhs_hint = false} : vector<2000x128xbf16>, vector<128x128xbf16>, vector<2000x128xf32> -> vector<2000x128xf32>
    %get3A_96 = arith.constant 1 : index
    %get3A_97 = arith.constant 0 : index
    %get3A_98 = vector.load %arg8[%get3A_96, %get3A_97] : memref<4x128xf32, #tpu.memory_space<vmem>>, vector<1x128xf32>
    %get3A_99 = vector.shape_cast %get3A_98 : vector<1x128xf32> to vector<128xf32>
    %broadcast_in_dim3A_100 = vector.shape_cast %get3A_99 : vector<128xf32> to vector<1x128xf32>
    %add3A_101 = vector.broadcast %broadcast_in_dim3A_100 : vector<1x128xf32> to vector<2000x128xf32>
    %add3A_102 = arith.addf %dot_general3A_95, %add3A_101 : vector<2000x128xf32>
    %reduce_sum3A_103 = arith.constant dense<0.000000e+00> : vector<2000xf32>
    %reduce_sum3A_104 = vector.multi_reduction <add>, %add3A_102, %reduce_sum3A_103 [1] : vector<2000x128xf32> to vector<2000xf32>
    %broadcast_in_dim3A_105 = vector.shape_cast %reduce_sum3A_104 : vector<2000xf32> to vector<2000x1xf32>
    %div3A_106 = arith.constant 1.280000e+02 : f32
    %div3A_107 = vector.broadcast %div3A_106 : f32 to vector<2000x1xf32>
    %div3A_108 = arith.divf %broadcast_in_dim3A_105, %div3A_107 : vector<2000x1xf32>
    %mul3A_109 = arith.mulf %add3A_102, %add3A_102 : vector<2000x128xf32>
    %reduce_sum3A_110 = arith.constant dense<0.000000e+00> : vector<2000xf32>
    %reduce_sum3A_111 = vector.multi_reduction <add>, %mul3A_109, %reduce_sum3A_110 [1] : vector<2000x128xf32> to vector<2000xf32>
    %broadcast_in_dim3A_112 = vector.shape_cast %reduce_sum3A_111 : vector<2000xf32> to vector<2000x1xf32>
    %div3A_113 = arith.constant 1.280000e+02 : f32
    %div3A_114 = vector.broadcast %div3A_113 : f32 to vector<2000x1xf32>
    %div3A_115 = arith.divf %broadcast_in_dim3A_112, %div3A_114 : vector<2000x1xf32>
    %mul3A_116 = arith.mulf %div3A_108, %div3A_108 : vector<2000x1xf32>
    %sub3A_117 = arith.subf %div3A_115, %mul3A_116 : vector<2000x1xf32>
    %add3A_118 = arith.constant 9.99999974E-6 : f32
    %add3A_119 = vector.broadcast %add3A_118 : f32 to vector<2000x1xf32>
    %add3A_120 = arith.addf %sub3A_117, %add3A_119 : vector<2000x1xf32>
    %rsqrt3A_121 = math.rsqrt %add3A_120 : vector<2000x1xf32>
    %get3A_122 = arith.constant 1 : index
    %get3A_123 = arith.constant 0 : index
    %get3A_124 = vector.load %arg9[%get3A_122, %get3A_123] : memref<4x128xf32, #tpu.memory_space<vmem>>, vector<1x128xf32>
    %get3A_125 = vector.shape_cast %get3A_124 : vector<1x128xf32> to vector<128xf32>
    %broadcast_in_dim3A_126 = vector.shape_cast %get3A_125 : vector<128xf32> to vector<1x128xf32>
    %mul3A_127 = vector.broadcast %rsqrt3A_121 : vector<2000x1xf32> to vector<2000x128xf32>
    %mul3A_128 = vector.broadcast %broadcast_in_dim3A_126 : vector<1x128xf32> to vector<2000x128xf32>
    %mul3A_129 = arith.mulf %mul3A_127, %mul3A_128 : vector<2000x128xf32>
    %sub3A_130 = vector.broadcast %div3A_108 : vector<2000x1xf32> to vector<2000x128xf32>
    %sub3A_131 = arith.subf %add3A_102, %sub3A_130 : vector<2000x128xf32>
    %mul3A_132 = arith.mulf %sub3A_131, %mul3A_129 : vector<2000x128xf32>
    %get3A_133 = arith.constant 1 : index
    %get3A_134 = arith.constant 0 : index
    %get3A_135 = vector.load %arg10[%get3A_133, %get3A_134] : memref<4x128xf32, #tpu.memory_space<vmem>>, vector<1x128xf32>
    %get3A_136 = vector.shape_cast %get3A_135 : vector<1x128xf32> to vector<128xf32>
    %broadcast_in_dim3A_137 = vector.shape_cast %get3A_136 : vector<128xf32> to vector<1x128xf32>
    %add3A_138 = vector.broadcast %broadcast_in_dim3A_137 : vector<1x128xf32> to vector<2000x128xf32>
    %add3A_139 = arith.addf %mul3A_132, %add3A_138 : vector<2000x128xf32>
    %add3A_140 = arith.addf %add3A_139, %add3A_74 : vector<2000x128xf32>
    %convert_element_type3A_141 = arith.truncf %add3A_140 : vector<2000x128xf32> to vector<2000x128xbf16>
    %get3A_142 = arith.constant 2 : index
    %get3A_143 = arith.constant 0 : index
    %get3A_144 = arith.constant 0 : index
    %get3A_145 = vector.load %arg4[%get3A_142, %get3A_143, %get3A_144] : memref<4x128x128xbf16, #tpu.memory_space<vmem>>, vector<1x128x128xbf16>
    %get3A_146 = vector.shape_cast %get3A_145 : vector<1x128x128xbf16> to vector<128x128xbf16>
    %dot_general3A_147 = arith.constant dense<0.000000e+00> : vector<2000x128xf32>
    %dot_general3A_148 = tpu.matmul %convert_element_type3A_141, %get3A_146, %dot_general3A_147 {dimension_numbers = #tpu.dot_dimension_numbers<[1], [0], [0], [1], [0, 0, 1, 1], [], []>, transpose_lhs_hint = false} : vector<2000x128xbf16>, vector<128x128xbf16>, vector<2000x128xf32> -> vector<2000x128xf32>
    %slice3A_149 = vector.extract_strided_slice %add3A_15 {offsets = [0, 256], sizes = [2000, 128], strides = [1, 1]} : vector<2000x512xf32> to vector<2000x128xf32>
    %add3A_150 = arith.addf %dot_general3A_148, %slice3A_149 : vector<2000x128xf32>
    %max3A_151 = arith.constant 0.000000e+00 : f32
    %max3A_152 = vector.broadcast %max3A_151 : f32 to vector<2000x128xf32>
    %max3A_153 = arith.maximumf %add3A_150, %max3A_152 : vector<2000x128xf32>
    %convert_element_type3A_154 = arith.truncf %max3A_153 : vector<2000x128xf32> to vector<2000x128xbf16>
    %get3A_155 = arith.constant 2 : index
    %get3A_156 = arith.constant 0 : index
    %get3A_157 = arith.constant 0 : index
    %get3A_158 = vector.load %arg7[%get3A_155, %get3A_156, %get3A_157] : memref<4x128x128xbf16, #tpu.memory_space<vmem>>, vector<1x128x128xbf16>
    %get3A_159 = vector.shape_cast %get3A_158 : vector<1x128x128xbf16> to vector<128x128xbf16>
    %dot_general3A_160 = arith.constant dense<0.000000e+00> : vector<2000x128xf32>
    %dot_general3A_161 = tpu.matmul %convert_element_type3A_154, %get3A_159, %dot_general3A_160 {dimension_numbers = #tpu.dot_dimension_numbers<[1], [0], [0], [1], [0, 0, 1, 1], [], []>, transpose_lhs_hint = false} : vector<2000x128xbf16>, vector<128x128xbf16>, vector<2000x128xf32> -> vector<2000x128xf32>
    %get3A_162 = arith.constant 2 : index
    %get3A_163 = arith.constant 0 : index
    %get3A_164 = vector.load %arg8[%get3A_162, %get3A_163] : memref<4x128xf32, #tpu.memory_space<vmem>>, vector<1x128xf32>
    %get3A_165 = vector.shape_cast %get3A_164 : vector<1x128xf32> to vector<128xf32>
    %broadcast_in_dim3A_166 = vector.shape_cast %get3A_165 : vector<128xf32> to vector<1x128xf32>
    %add3A_167 = vector.broadcast %broadcast_in_dim3A_166 : vector<1x128xf32> to vector<2000x128xf32>
    %add3A_168 = arith.addf %dot_general3A_161, %add3A_167 : vector<2000x128xf32>
    %reduce_sum3A_169 = arith.constant dense<0.000000e+00> : vector<2000xf32>
    %reduce_sum3A_170 = vector.multi_reduction <add>, %add3A_168, %reduce_sum3A_169 [1] : vector<2000x128xf32> to vector<2000xf32>
    %broadcast_in_dim3A_171 = vector.shape_cast %reduce_sum3A_170 : vector<2000xf32> to vector<2000x1xf32>
    %div3A_172 = arith.constant 1.280000e+02 : f32
    %div3A_173 = vector.broadcast %div3A_172 : f32 to vector<2000x1xf32>
    %div3A_174 = arith.divf %broadcast_in_dim3A_171, %div3A_173 : vector<2000x1xf32>
    %mul3A_175 = arith.mulf %add3A_168, %add3A_168 : vector<2000x128xf32>
    %reduce_sum3A_176 = arith.constant dense<0.000000e+00> : vector<2000xf32>
    %reduce_sum3A_177 = vector.multi_reduction <add>, %mul3A_175, %reduce_sum3A_176 [1] : vector<2000x128xf32> to vector<2000xf32>
    %broadcast_in_dim3A_178 = vector.shape_cast %reduce_sum3A_177 : vector<2000xf32> to vector<2000x1xf32>
    %div3A_179 = arith.constant 1.280000e+02 : f32
    %div3A_180 = vector.broadcast %div3A_179 : f32 to vector<2000x1xf32>
    %div3A_181 = arith.divf %broadcast_in_dim3A_178, %div3A_180 : vector<2000x1xf32>
    %mul3A_182 = arith.mulf %div3A_174, %div3A_174 : vector<2000x1xf32>
    %sub3A_183 = arith.subf %div3A_181, %mul3A_182 : vector<2000x1xf32>
    %add3A_184 = arith.constant 9.99999974E-6 : f32
    %add3A_185 = vector.broadcast %add3A_184 : f32 to vector<2000x1xf32>
    %add3A_186 = arith.addf %sub3A_183, %add3A_185 : vector<2000x1xf32>
    %rsqrt3A_187 = math.rsqrt %add3A_186 : vector<2000x1xf32>
    %get3A_188 = arith.constant 2 : index
    %get3A_189 = arith.constant 0 : index
    %get3A_190 = vector.load %arg9[%get3A_188, %get3A_189] : memref<4x128xf32, #tpu.memory_space<vmem>>, vector<1x128xf32>
    %get3A_191 = vector.shape_cast %get3A_190 : vector<1x128xf32> to vector<128xf32>
    %broadcast_in_dim3A_192 = vector.shape_cast %get3A_191 : vector<128xf32> to vector<1x128xf32>
    %mul3A_193 = vector.broadcast %rsqrt3A_187 : vector<2000x1xf32> to vector<2000x128xf32>
    %mul3A_194 = vector.broadcast %broadcast_in_dim3A_192 : vector<1x128xf32> to vector<2000x128xf32>
    %mul3A_195 = arith.mulf %mul3A_193, %mul3A_194 : vector<2000x128xf32>
    %sub3A_196 = vector.broadcast %div3A_174 : vector<2000x1xf32> to vector<2000x128xf32>
    %sub3A_197 = arith.subf %add3A_168, %sub3A_196 : vector<2000x128xf32>
    %mul3A_198 = arith.mulf %sub3A_197, %mul3A_195 : vector<2000x128xf32>
    %get3A_199 = arith.constant 2 : index
    %get3A_200 = arith.constant 0 : index
    %get3A_201 = vector.load %arg10[%get3A_199, %get3A_200] : memref<4x128xf32, #tpu.memory_space<vmem>>, vector<1x128xf32>
    %get3A_202 = vector.shape_cast %get3A_201 : vector<1x128xf32> to vector<128xf32>
    %broadcast_in_dim3A_203 = vector.shape_cast %get3A_202 : vector<128xf32> to vector<1x128xf32>
    %add3A_204 = vector.broadcast %broadcast_in_dim3A_203 : vector<1x128xf32> to vector<2000x128xf32>
    %add3A_205 = arith.addf %mul3A_198, %add3A_204 : vector<2000x128xf32>
    %add3A_206 = arith.addf %add3A_205, %add3A_140 : vector<2000x128xf32>
    %convert_element_type3A_207 = arith.truncf %add3A_206 : vector<2000x128xf32> to vector<2000x128xbf16>
    %get3A_208 = arith.constant 3 : index
    %get3A_209 = arith.constant 0 : index
    %get3A_210 = arith.constant 0 : index
    %get3A_211 = vector.load %arg4[%get3A_208, %get3A_209, %get3A_210] : memref<4x128x128xbf16, #tpu.memory_space<vmem>>, vector<1x128x128xbf16>
    %get3A_212 = vector.shape_cast %get3A_211 : vector<1x128x128xbf16> to vector<128x128xbf16>
    %dot_general3A_213 = arith.constant dense<0.000000e+00> : vector<2000x128xf32>
    %dot_general3A_214 = tpu.matmul %convert_element_type3A_207, %get3A_212, %dot_general3A_213 {dimension_numbers = #tpu.dot_dimension_numbers<[1], [0], [0], [1], [0, 0, 1, 1], [], []>, transpose_lhs_hint = false} : vector<2000x128xbf16>, vector<128x128xbf16>, vector<2000x128xf32> -> vector<2000x128xf32>
    %slice3A_215 = vector.extract_strided_slice %add3A_15 {offsets = [0, 384], sizes = [2000, 128], strides = [1, 1]} : vector<2000x512xf32> to vector<2000x128xf32>
    %add3A_216 = arith.addf %dot_general3A_214, %slice3A_215 : vector<2000x128xf32>
    %max3A_217 = arith.constant 0.000000e+00 : f32
    %max3A_218 = vector.broadcast %max3A_217 : f32 to vector<2000x128xf32>
    %max3A_219 = arith.maximumf %add3A_216, %max3A_218 : vector<2000x128xf32>
    %convert_element_type3A_220 = arith.truncf %max3A_219 : vector<2000x128xf32> to vector<2000x128xbf16>
    %get3A_221 = arith.constant 3 : index
    %get3A_222 = arith.constant 0 : index
    %get3A_223 = arith.constant 0 : index
    %get3A_224 = vector.load %arg7[%get3A_221, %get3A_222, %get3A_223] : memref<4x128x128xbf16, #tpu.memory_space<vmem>>, vector<1x128x128xbf16>
    %get3A_225 = vector.shape_cast %get3A_224 : vector<1x128x128xbf16> to vector<128x128xbf16>
    %dot_general3A_226 = arith.constant dense<0.000000e+00> : vector<2000x128xf32>
    %dot_general3A_227 = tpu.matmul %convert_element_type3A_220, %get3A_225, %dot_general3A_226 {dimension_numbers = #tpu.dot_dimension_numbers<[1], [0], [0], [1], [0, 0, 1, 1], [], []>, transpose_lhs_hint = false} : vector<2000x128xbf16>, vector<128x128xbf16>, vector<2000x128xf32> -> vector<2000x128xf32>
    %get3A_228 = arith.constant 3 : index
    %get3A_229 = arith.constant 0 : index
    %get3A_230 = vector.load %arg8[%get3A_228, %get3A_229] : memref<4x128xf32, #tpu.memory_space<vmem>>, vector<1x128xf32>
    %get3A_231 = vector.shape_cast %get3A_230 : vector<1x128xf32> to vector<128xf32>
    %broadcast_in_dim3A_232 = vector.shape_cast %get3A_231 : vector<128xf32> to vector<1x128xf32>
    %add3A_233 = vector.broadcast %broadcast_in_dim3A_232 : vector<1x128xf32> to vector<2000x128xf32>
    %add3A_234 = arith.addf %dot_general3A_227, %add3A_233 : vector<2000x128xf32>
    %reduce_sum3A_235 = arith.constant dense<0.000000e+00> : vector<2000xf32>
    %reduce_sum3A_236 = vector.multi_reduction <add>, %add3A_234, %reduce_sum3A_235 [1] : vector<2000x128xf32> to vector<2000xf32>
    %broadcast_in_dim3A_237 = vector.shape_cast %reduce_sum3A_236 : vector<2000xf32> to vector<2000x1xf32>
    %div3A_238 = arith.constant 1.280000e+02 : f32
    %div3A_239 = vector.broadcast %div3A_238 : f32 to vector<2000x1xf32>
    %div3A_240 = arith.divf %broadcast_in_dim3A_237, %div3A_239 : vector<2000x1xf32>
    %mul3A_241 = arith.mulf %add3A_234, %add3A_234 : vector<2000x128xf32>
    %reduce_sum3A_242 = arith.constant dense<0.000000e+00> : vector<2000xf32>
    %reduce_sum3A_243 = vector.multi_reduction <add>, %mul3A_241, %reduce_sum3A_242 [1] : vector<2000x128xf32> to vector<2000xf32>
    %broadcast_in_dim3A_244 = vector.shape_cast %reduce_sum3A_243 : vector<2000xf32> to vector<2000x1xf32>
    %div3A_245 = arith.constant 1.280000e+02 : f32
    %div3A_246 = vector.broadcast %div3A_245 : f32 to vector<2000x1xf32>
    %div3A_247 = arith.divf %broadcast_in_dim3A_244, %div3A_246 : vector<2000x1xf32>
    %mul3A_248 = arith.mulf %div3A_240, %div3A_240 : vector<2000x1xf32>
    %sub3A_249 = arith.subf %div3A_247, %mul3A_248 : vector<2000x1xf32>
    %add3A_250 = arith.constant 9.99999974E-6 : f32
    %add3A_251 = vector.broadcast %add3A_250 : f32 to vector<2000x1xf32>
    %add3A_252 = arith.addf %sub3A_249, %add3A_251 : vector<2000x1xf32>
    %rsqrt3A_253 = math.rsqrt %add3A_252 : vector<2000x1xf32>
    %get3A_254 = arith.constant 3 : index
    %get3A_255 = arith.constant 0 : index
    %get3A_256 = vector.load %arg9[%get3A_254, %get3A_255] : memref<4x128xf32, #tpu.memory_space<vmem>>, vector<1x128xf32>
    %get3A_257 = vector.shape_cast %get3A_256 : vector<1x128xf32> to vector<128xf32>
    %broadcast_in_dim3A_258 = vector.shape_cast %get3A_257 : vector<128xf32> to vector<1x128xf32>
    %mul3A_259 = vector.broadcast %rsqrt3A_253 : vector<2000x1xf32> to vector<2000x128xf32>
    %mul3A_260 = vector.broadcast %broadcast_in_dim3A_258 : vector<1x128xf32> to vector<2000x128xf32>
    %mul3A_261 = arith.mulf %mul3A_259, %mul3A_260 : vector<2000x128xf32>
    %sub3A_262 = vector.broadcast %div3A_240 : vector<2000x1xf32> to vector<2000x128xf32>
    %sub3A_263 = arith.subf %add3A_234, %sub3A_262 : vector<2000x128xf32>
    %mul3A_264 = arith.mulf %sub3A_263, %mul3A_261 : vector<2000x128xf32>
    %get3A_265 = arith.constant 3 : index
    %get3A_266 = arith.constant 0 : index
    %get3A_267 = vector.load %arg10[%get3A_265, %get3A_266] : memref<4x128xf32, #tpu.memory_space<vmem>>, vector<1x128xf32>
    %get3A_268 = vector.shape_cast %get3A_267 : vector<1x128xf32> to vector<128xf32>
    %broadcast_in_dim3A_269 = vector.shape_cast %get3A_268 : vector<128xf32> to vector<1x128xf32>
    %add3A_270 = vector.broadcast %broadcast_in_dim3A_269 : vector<1x128xf32> to vector<2000x128xf32>
    %add3A_271 = arith.addf %mul3A_264, %add3A_270 : vector<2000x128xf32>
    %add3A_272 = arith.addf %add3A_271, %add3A_206 : vector<2000x128xf32>
    %swap3A = arith.constant 0 : index
    %swap3A_273 = arith.constant 0 : index
    %swap3A_274 = vector.load %arg11[%swap3A, %swap3A_273] : memref<2000x128xf32, #tpu.memory_space<vmem>>, vector<2000x128xf32>
    tpu.vector_store %arg11[%swap3A, %swap3A_273], %add3A_272 {strides = array<i32>} : memref<2000x128xf32, #tpu.memory_space<vmem>>, vector<2000x128xf32>,
    return
  }
  func.func @transform_0(%arg0: i32) -> (i32, i32) {
    %c0_i32 = arith.constant 0 : i32
    %c0_i32_0 = arith.constant 0 : i32
    return %arg0, %c0_i32 : i32, i32
  }
  func.func @transform_1(%arg0: i32) -> (i32, i32) {
    %c0_i32 = arith.constant 0 : i32
    %c0_i32_0 = arith.constant 0 : i32
    return %arg0, %c0_i32 : i32, i32
  }
  func.func @transform_2(%arg0: i32) -> (i32, i32) {
    %add3A = arith.constant 6 : i32
    %add3A_0 = arith.addi %arg0, %add3A : i32
    %c0_i32 = arith.constant 0 : i32
    %c0_i32_1 = arith.constant 0 : i32
    return %add3A_0, %c0_i32 : i32, i32
  }
  func.func @transform_3(%arg0: i32) -> (i32, i32, i32) {
    %c0_i32 = arith.constant 0 : i32
    %c0_i32_0 = arith.constant 0 : i32
    %c0_i32_1 = arith.constant 0 : i32
    %c0_i32_2 = arith.constant 0 : i32
    return %c0_i32, %c0_i32_0, %c0_i32_1 : i32, i32, i32
  }
  func.func @transform_4(%arg0: i32) -> (i32, i32) {
    %c0_i32 = arith.constant 0 : i32
    %c0_i32_0 = arith.constant 0 : i32
    %c0_i32_1 = arith.constant 0 : i32
    return %c0_i32, %c0_i32_0 : i32, i32
  }
  func.func @transform_5(%arg0: i32) -> i32 {
    %c0_i32 = arith.constant 0 : i32
    %c0_i32_0 = arith.constant 0 : i32
    return %c0_i32 : i32
  }
  func.func @transform_6(%arg0: i32) -> (i32, i32, i32) {
    %c0_i32 = arith.constant 0 : i32
    %c0_i32_0 = arith.constant 0 : i32
    %c0_i32_1 = arith.constant 0 : i32
    %c0_i32_2 = arith.constant 0 : i32
    return %c0_i32, %c0_i32_0, %c0_i32_1 : i32, i32, i32
  }
  func.func @transform_7(%arg0: i32) -> (i32, i32) {
    %c0_i32 = arith.constant 0 : i32
    %c0_i32_0 = arith.constant 0 : i32
    %c0_i32_1 = arith.constant 0 : i32
    return %c0_i32, %c0_i32_0 : i32, i32
  }
  func.func @transform_8(%arg0: i32) -> (i32, i32) {
    %c0_i32 = arith.constant 0 : i32
    %c0_i32_0 = arith.constant 0 : i32
    %c0_i32_1 = arith.constant 0 : i32
    return %c0_i32, %c0_i32_0 : i32, i32
  }
  func.func @transform_9(%arg0: i32) -> (i32, i32) {
    %c0_i32 = arith.constant 0 : i32
    %c0_i32_0 = arith.constant 0 : i32
    %c0_i32_1 = arith.constant 0 : i32
    return %c0_i32, %c0_i32_0 : i32, i32
  }
  func.func @transform_10(%arg0: i32) -> (i32, i32) {
    %c0_i32 = arith.constant 0 : i32
    %c0_i32_0 = arith.constant 0 : i32
    return %arg0, %c0_i32 : i32, i32
  }
}

</mosaic_0001>

<sc_bundles>
// kernel: kernel.4.cloned.1.call-start
scs
__scs_entry_jumppad:
0x0: {  	(pc) =	sbr.rel $0x88, $3  }
0x1: {  	(tag) =	ssettag $0x0;
	lr =	simm.s32 $0x1  }
0x2: {  	[smem:$0x3F98] =	sst lr;
	_ =	strace $0xD0000000  }
0x3: {  	_ = 	snop  }
0x4: {  	_ = 	snop  }
0x5: {  	_ = 	snop  }
0x6: {  	_ = 	snop  }
0x7: {  	_ = 	snop  }
__scs_overlays_trampoline_lowered:
0x8: {  	[smem:$0x3FA7] =	sst s0  }
0x9: {  	[smem:$0x3FA8] =	sst s1  }
0xa: {  	[smem:$0x3FA9] =	sst s2  }
0xb: {  	[smem:$0x3FAA] =	sst s3  }
0xc: {  	[smem:$0x3FAB] =	sst s4  }
0xd: {  	[smem:$0x3FAC] =	sst s5  }
0xe: {  	[smem:$0x3FAD] =	sst s6  }
0xf: {  	[smem:$0x3FAE] =	sst s7  }
0x10: {  	[smem:$0x3FAF] =	sst s8  }
0x11: {  	[smem:$0x3FB0] =	sst s9;
	s0 =	simm.s32 @!p0 $0x0  }
0x12: {  	s1 =	sld [smem:$0x3F96];
	s0 =	simm.s32 @p0 $0x1  }
0x13: {  	[smem:$0x3FB1] =	sst s0;
	s0 =	simm.s32 @!p1 $0x0  }
0x14: {  	s2 =	sld [smem:$0x3F95];
	s0 =	simm.s32 @p1 $0x1  }
0x15: {  	[smem:$0x3FB2] =	sst s0;
	s0 =	simm.s32 @!p2 $0x0  }
0x16: {  	s3 =	sld [smem:$0x3FDB];
	s0 =	simm.s32 @p2 $0x1  }
0x17: {  	s4 =	simm.s32 $0x1BF5;
	[smem:$0x3FB4] =	sst s0  }
0x18: {  	s0 =	sld [smem:$0x3F97];
	_ =	swait.ge [sflag:s4], $0x0  }
0x19: {  	s7 =	sld [smem:$0x3F98]  }
0x1a: {  	s8 =	sadd.s32 $0xFFFFE003, lr  }
0x1b: {  	s9 =	sadd.s32 $0xFFFFFEF7, lr;
	s5 =	simm.s32 $0xFFFFFFFF;
	p2 =	slt.u32 s8, $0xFFFFF086  }
0x1c: {  	p1 =	slt.u32 s9, $0xF7A;
	s5 =	simm.s32 @!p2 $0x0  }
0x1d: {  	s5 =	simm.s32 @p1 $0x1;
	p0 =	seq.s32 s7, s2  }
0x1e: {  	s7 =	smul.u32 @!p0 $0xF7A, s2;
	p2 =	seq.s32 @!p0 s5, $0x0  }
0x1f: {  	s9 =	smul.u32 $0xF7A, s1;
	s8 =	simm.s32 @!p0 $0x1BF5;
	p2 =	por !p2, p0  }
0x20: {  	[sflag:s8] =	ssyncset.s32 @!p0 $0xFFFFF086;
	s6 =	sadd.s32 @!p0 s3, s7;
	s7 =	simm.s32 @!p0 $0x108  }
0x21: {  	s3 =	sadd.s32 s3, s9;
	s6 =	sadd.s32 @!p0 $0x88, s6;
	s7 =	simm.s32 @p2 $0x1082  }
0x22: {  	[simem:s7], [sflag:s8] =	dma.local @!p0 [hbm:s6], $0xF7A  }
0x23: {  	s9 =	sor.u32 $0xD0000000, s2;
	s6 =	simm.s32 $0x108;
	_ =	swait.ge @!p0 [sflag:s8], $0x0  }
0x24: {  	s3 =	sadd.s32 $0x88, s3;
	s6 =	simm.s32 @!p1 $0x1082;
	[sflag:s4] =	ssyncset.s32 $0xFFFFF086  }
0x25: {  	[simem:s6], [sflag:s4] =	dma.local [hbm:s3], $0xF7A  }
0x26: {  	[smem:$0x3F98] =	sst s1;
	(tag) =	ssettag s2;
	_ =	strace s9  }
0x27: {  	s1 =	sld [smem:$0x3FA8]  }
0x28: {  	s2 =	sld [smem:$0x3FA9]  }
0x29: {  	s4 =	sld [smem:$0x3FAB]  }
0x2a: {  	p0 =	seq.s32 s5, $0x0;
	s5 =	sld [smem:$0x3FAC]  }
0x2b: {  	s6 =	sld [smem:$0x3FAD]  }
0x2c: {  	s7 =	sld [smem:$0x3FAE]  }
0x2d: {  	s3 =	simm.s32 $0x108;
	s8 =	sld [smem:$0x3FAF]  }
0x2e: {  	s3 =	simm.s32 @!p0 $0x1082;
	s9 =	sld [smem:$0x3FB0]  }
0x2f: {  	lr =	sadd.s32 s0, s3;
	s0 =	sld [smem:$0x3FA7]  }
0x30: {  	s3 =	sld [smem:$0x3FAA]  }
0x31: {  	[smem:$0x3FB3] =	sst s10  }
0x32: {  	s10 =	sld [smem:$0x3FB1];
	_ =	sdelay $0x3  }
0x33: {  	p0 =	seq.s32 s10, $0x1;
	s10 =	sld [smem:$0x3FB3];
	_ =	sdelay $0x3  }
0x34: {  	[smem:$0x3FB3] =	sst s10  }
0x35: {  	s10 =	sld [smem:$0x3FB2];
	_ =	sdelay $0x3  }
0x36: {  	p1 =	seq.s32 s10, $0x1;
	s10 =	sld [smem:$0x3FB3];
	_ =	sdelay $0x3  }
0x37: {  	[smem:$0x3FB3] =	sst s10  }
0x38: {  	s10 =	sld [smem:$0x3FB4]  }
0x39: {  	_ = 	snop;
	(pc) =	sbr.ind lr, $3  }
0x3a: {  	_ = 	snop  }
0x3b: {  	_ = 	snop  }
0x3c: {  	p2 =	seq.s32 s10, $0x1;
	s10 =	sld [smem:$0x3FB3]  }
0x3d: {  	_ =	shalt  }
0x3e: {  	_ =	shalt  }
0x3f: {  	_ =	shalt  }
0x40: {  	_ =	shalt  }
0x41: {  	_ =	shalt  }
0x42: {  	_ =	shalt  }
0x43: {  	_ =	shalt  }
0x44: {  	_ =	shalt  }
0x45: {  	_ =	shalt  }
0x46: {  	_ =	shalt  }
0x47: {  	_ =	shalt  }
0x48: {  	_ =	shalt  }
0x49: {  	_ =	shalt  }
0x4a: {  	_ =	shalt  }
0x4b: {  	_ =	shalt  }
0x4c: {  	_ =	shalt  }
0x4d: {  	_ =	shalt  }
0x4e: {  	_ =	shalt  }
0x4f: {  	_ =	shalt  }
0x50: {  	_ =	shalt  }
0x51: {  	_ =	shalt  }
0x52: {  	_ =	shalt  }
0x53: {  	_ =	shalt  }
0x54: {  	_ =	shalt  }
0x55: {  	_ =	shalt  }
0x56: {  	_ =	shalt  }
0x57: {  	_ =	shalt  }
0x58: {  	_ =	shalt  }
0x59: {  	_ =	shalt  }
0x5a: {  	_ =	shalt  }
0x5b: {  	_ =	shalt  }
0x5c: {  	_ =	shalt  }
0x5d: {  	_ =	shalt  }
0x5e: {  	_ =	shalt  }
0x5f: {  	_ =	shalt  }
0x60: {  	_ =	shalt  }
0x61: {  	_ =	shalt  }
0x62: {  	_ =	shalt  }
0x63: {  	_ =	shalt  }
0x64: {  	_ =	shalt  }
0x65: {  	_ =	shalt  }
0x66: {  	_ =	shalt  }
0x67: {  	_ =	shalt  }
0x68: {  	_ =	shalt  }
0x69: {  	_ =	shalt  }
0x6a: {  	_ =	shalt  }
0x6b: {  	_ =	shalt  }
0x6c: {  	_ =	shalt  }
0x6d: {  	_ =	shalt  }
0x6e: {  	_ =	shalt  }
0x6f: {  	_ =	shalt  }
0x70: {  	_ =	shalt  }
0x71: {  	_ =	shalt  }
0x72: {  	_ =	shalt  }
0x73: {  	_ =	shalt  }
0x74: {  	_ =	shalt  }
0x75: {  	_ =	shalt  }
0x76: {  	_ =	shalt  }
0x77: {  	_ =	shalt  }
0x78: {  	_ =	shalt  }
0x79: {  	_ =	shalt  }
0x7a: {  	_ =	shalt  }
0x7b: {  	_ =	shalt  }
0x7c: {  	_ =	shalt  }
0x7d: {  	_ =	shalt  }
0x7e: {  	_ =	shalt  }
0x7f: {  	_ =	shalt  }
0x80: {  	_ =	shalt  }
0x81: {  	_ =	shalt  }
0x82: {  	_ =	shalt  }
0x83: {  	_ =	shalt  }
0x84: {  	_ =	shalt  }
0x85: {  	_ =	shalt  }
0x86: {  	_ =	shalt  }
0x87: {  	_ =	shalt  }
.Lfunc_end0:
.L_simem_size_0:
called_computation_lowered:
.L_overlay_start_0:
0x88: {  	s2 =	sld [smem:$0x3FD9]  }
0x89: {  	s3 =	sld [smem:$0x3FFE];
	_ =	sdelay $0x1  }
0x8a: {  	s1 =	srdreg.scid  }
0x8b: {  	s0 =	sand.u32 $0x1, s1  }
0x8c: {  	s17 =	sshll.u32 s0, $0xA;
	s2 =	sadd.s32 s3, s2  }
0x8d: {  	s2 =	sadd.s32 s2, s17  }
0x8e: {  	[smem:$0x3FBF] =	sst s2  }
0x8f: {  	_ = 	snop  }
0x90: {  	s2 =	sld [smem:$0x3FC8]  }
0x91: {  	s18 =	sld [smem:$0x3FC7];
	(tm) =	ssettm $0x1  }
0x92: {  	s4 =	sld [smem:$0x3FFB];
	_ =	sdelay $0x3  }
0x93: {  	_ =	strace s4  }
0x94: {  	s4 =	sld [smem:$0x3FFC];
	_ =	sdelay $0x3  }
0x95: {  	_ =	strace s4  }
0x96: {  	s4 =	sld [smem:$0x3FFD];
	_ =	sdelay $0x3  }
0x97: {  	_ =	strace s4  }
0x98: {  	_ =	strace $0x8FFFFFFF  }
0x99: {  	s19 =	sld [smem:$0x3FDB];
	_ =	sdelay $0x1  }
0x9a: {  	s5 =	simm.s32 $_scs_section_size  }
0x9b: {  	s6 =	simm.s32 $_size__tile_overlayer_lowered;
	s7 =	simm.s32 $_tile_overlayer_lowered  }
0x9c: {  	s22 =	simm.s32 $0x1BFF;
	s21 =	sshll.u32 s7, $0x1;
	s4 =	sadd.s32 s5, s19  }
0x9d: {  	s8 =	simm.s32 $0x0;
	s20 =	sshll.u32 s6, $0x1;
	s6 =	sadd.s32 s21, s4  }
0x9e: {  	[timem:s8], [sflag:s22] =	dma.local [hbm:s6], s20  }
0x9f: {  	_ =	swait.ge [sflag:s22], s20  }
0xa0: {  	s5 =	ssub.s32 $0x0, s20;
	[sflag:s22] =	ssyncset.done $0x0  }
0xa1: {  	[sflag:s22] =	ssyncadd.s32 s5;
	_ =	sdelay $0x1  }
0xa2: {  	s23 =	simm.s32 $0x1B8B  }
0xa3: {  	_ =	swait.ge [sflag:s23], $0x1  }
0xa4: {  	[sflag:s23] =	ssyncset.done $0x0  }
0xa5: {  	s25 =	simm.s32 $0x1B8E;
	s24 =	sld [smem:$0x3FFE];
	[sflag:s23] =	ssyncadd.s32 $0xFFFFFFFF  }
0xa6: {  	s26 =	simm.s32 $execute0_lowered;
	[smem:$0x3FD2] =	sst s25  }
0xa7: {  	s6 =	sshll.u32 s26, $0x1;
	_ =	strace $0x80000046;
	[dreg:$0x1] =	wrdreg $0xFFFFFFFF  }
0xa8: {  	s28 =	simm.s32 $_size_execute0_lowered;
	s4 =	sadd.s32 s4, s6;
	[dreg:$0x0] =	wrdreg $0x0  }
0xa9: {  	s6 =	sshll.u32 s28, $0x1;
	[dreg:$0x2] =	wrdreg s4  }
0xaa: {  	[dreg:$0x3] =	wrdreg s6  }
0xab: {  	[dreg:$0x4] =	wrdreg $0xC0  }
0xac: {  	_ =	task [dreg:s8], $0x5FFFF  }
0xad: {  	[dreg:$0x1] =	wrdreg $0xFFFFFFFF  }
0xae: {  	[dreg:$0x0] =	wrdreg $0x60  }
0xaf: {  	[dreg:$0x2] =	wrdreg s2  }
0xb0: {  	[dreg:$0x3] =	wrdreg s18  }
0xb1: {  	[dreg:$0x4] =	wrdreg s24  }
0xb2: {  	[dreg:$0x5] =	wrdreg $0x96000  }
0xb3: {  	[dreg:$0x6] =	wrdreg $0x9  }
0xb4: {  	_ =	task.clear_ibuf [dreg:s8], $0x7FFFF;
	_ =	strace $0x90000046  }
0xb5: {  	s29 =	simm.s32 $0x9;
	_ =	strace $0x80000048  }
0xb6: {  	_ =	swait.ge [sflag:s29], $0x1  }
0xb7: {  	[sflag:s29] =	ssyncadd.s32 $0xFFFFFFFF  }
0xb8: {  	_ =	strace $0x90000048  }
0xb9: {  	_ =	sfence  }
0xba: {  	s30 =	sld [smem:$0x0];
	_ =	sdelay $0x2  }
0xbb: {  	s31 =	sshll.u32 s1, $0xD;
	s1 =	sshrl.u32 s1, $0x2  }
0xbc: {  	s3 =	sand.u32 $0x4000, s31;
	s1 =	sadd.s32 s1, s30  }
0xbd: {  	s0 =	sor.u32 s3, s0;
	s1 =	sshll.u32 s1, $0x11  }
0xbe: {  	s0 =	sor.u32 s1, s0  }
0xbf: {  	s0 =	sadd.s32 $0x8F2B, s0  }
0xc0: {  	[sflag:s0] =	ssyncadd.remote.s32 $0x1  }
0xc1: {  	_ =	sfence.sel $0xFFFF  }
0xc2: {  	[dreg:$0x0] =	wrdreg $0xFFFFFFFF;
	(pc) =	sbr.abs _section_cstart, $3  }
0xc3: {  	[dreg:$0x1] =	wrdreg $0xFFFFFFFF  }
0xc4: {  	_ =	task.clear_ibuf [dreg:s8], $0x2FFFF;
	_ =	strace $0x9FFFFFFF  }
0xc5: {  	(tm) =	ssettm $0x7FFFFFFF  }
tec
execute0_lowered:
.L_overlay_start_1:
0x0: {  	(tag) =	ssettag $0x1  }
0x1: {  	s0 =	rddreg [dreg:$0x0]  }
0x2: {  	s1 =	rddreg [dreg:$0x1]  }
0x3: {  	s2 =	rddreg [dreg:$0x2]  }
0x4: {  	s3 =	rddreg [dreg:$0x3];
	s13 =	stileid.u32  }
0x5: {  	s5 =	srdreg.scid;
	s4 =	simm.s32 $0x0;
	s6 =	smul.u32 $0x2780, s13  }
0x6: {  	s5 =	sand.u32 $0x1, s5;
	[smem:$0x7FF] =	sst s4;
	s21 =	smul.u32 $0x4F000, s13  }
0x7: {  	s7 =	smul.u32 $0x2EE00, s5;
	s8 =	ssub.s32 $0x2, s5;
	s9 =	sshll.u32 s5, $0x4  }
0x8: {  	_ =	strace $0x80000047;
	s18 =	sshrl.u32 s8, $0x1;
	s10 =	sor.u32 s13, s9  }
0x9: {  	s9 =	sshrl.u32 s21, $0x2;
	s6 =	sadd.s32 s6, s7;
	s19 =	sshll.u32 s10, $0x5  }
0xa: {  	s20 =	sshll.u32 s10, $0xB;
	s11 =	sshll.u32 s10, $0x7;
	s9 =	sadd.s32 s9, s3  }
0xb: {  	p0 =	sgt.u32 s10, $0x1;
	s10 =	simm.s32 $0x8200;
	s2 =	sadd.s32 s6, s2  }
0xc: {  	s6 =	ssub.s32 s8, s18;
	s7 =	sadd.s32 s1, s19;
	s22 =	sadd.s32 s0, s20  }
0xd: {  	s23 =	sor.u32 $0x1000, s11;
	s25 =	sadd.s32 $0x1400, s9;
	s26 =	sadd.s32 $0x2800, s9  }
0xe: {  	s12 =	sadd.s32 $0x5000, s9;
	s14 =	sadd.s32 $0x6400, s9;
	s15 =	sor.u32 $0x27000, s11  }
0xf: {  	s16 =	sadd.s32 $0x7800, s9;
	s11 =	sor.u32 $0x26000, s11;
	[dreg:$0x5] =	wrdreg s7  }
0x10: {  	s19 =	sshll.u32 s13, $0xB;
	s20 =	sshll.u32 s13, $0x7;
	[dreg:$0x6] =	wrdreg s22  }
0x11: {  	s21 =	sadd.s32 $0x8C00, s9;
	s28 =	sadd.s32 $0xB400, s9;
	[dreg:$0x9] =	wrdreg s25  }
0x12: {  	s29 =	sadd.s32 $0xC800, s9;
	s30 =	sadd.s32 $0xDC00, s9;
	[dreg:$0xa] =	wrdreg s26  }
0x13: {  	s31 =	sadd.s32 $0xF000, s9;
	s13 =	simm.s32 $0x80;
	[dreg:$0xc] =	wrdreg s12  }
0x14: {  	s24 =	sshrl.u32 s23, $0x2;
	s7 =	sshll.u32 s23, $0x4;
	[dreg:$0xd] =	wrdreg s14  }
0x15: {  	[dreg:$0xe] =	wrdreg s16;
	s17 =	sshll.u32 s15, $0x4;
	s18 =	sshll.u32 s11, $0x4  }
0x16: {  	s12 =	sshll.u32 s5, $0xF;
	s5 =	sshll.u32 s5, $0xB;
	[dreg:$0x11] =	wrdreg s21  }
0x17: {  	s2 =	sadd.s32 $0x1600, s2;
	s22 =	smax.u32 s6, $0x1;
	s23 =	sshrl.u32 s11, $0x2  }
0x18: {  	s26 =	sadd.s32 $0xA000, s9;
	s6 =	simm.s32 $0x200;
	[dreg:$0x13] =	wrdreg s2  }
0x19: {  	s11 =	simm.s32 $0x3;
	s14 =	simm.s32 $0x4;
	[dreg:$0x14] =	wrdreg s22  }
0x1a: {  	s16 =	simm.s32 $0x180;
	s8 =	sadd.s32 s1, s24;
	[dreg:$0x16] =	wrdreg s26  }
0x1b: {  	s7 =	sadd.s32 s0, s7;
	s5 =	sor.u32 s20, s5;
	[dreg:$0x7] =	wrdreg s8  }
0x1c: {  	s2 =	sadd.s32 s1, s23;
	[dreg:$0x8] =	wrdreg s7;
	s8 =	sadd.s32 $0x3C00, s9  }
0x1d: {  	s7 =	sshrl.u32 s15, $0x2;
	s24 =	sor.u32 $0x3000, s5;
	[dreg:$0x15] =	wrdreg s2  }
0x1e: {  	s2 =	sadd.s32 $0x11800, s9;
	s15 =	simm.s32 $0x2;
	[dreg:$0xb] =	wrdreg s8  }
0x1f: {  	s8 =	sadd.s32 s0, s17;
	s7 =	sadd.s32 s1, s7;
	s25 =	sshrl.u32 s24, $0x2  }
0x20: {  	s17 =	simm.s32 $0x0;
	[dreg:$0xf] =	wrdreg s8;
	s8 =	sadd.s32 s0, s18  }
0x21: {  	s0 =	sadd.s32 s12, s0;
	[dreg:$0x12] =	wrdreg s7;
	s24 =	sadd.s32 s25, s1  }
0x22: {  	s25 =	sor.u32 $0x2000, s5;
	s5 =	sadd.s32 $0x12C00, s9;
	s7 =	simm.s32 $0x100  }
0x23: {  	s12 =	simm.s32 $0x1;
	[dreg:$0x10] =	wrdreg s8;
	s0 =	sadd.s32 s19, s0  }
0x24: {  	v0 =	vimm.f32 $0.0e+00;
	s8 =	simm.s32 $0x4200;
	s21 =	sadd.s32 $0x30000, s0;
	s0 =	sadd.s32 $0x10400, s9  }
.LBB2_1:
0x25: {  	s18 =	rddreg [dreg:$0x5]  }
0x26: {  	[tilespmem:s4], [sflag:$0x1] =	stream.linear.gather [hbm4b:s18+s4], $0x100, $0x38;
	[tilespmem:$0x1D200] =	vst v63  }
0x27: {  	s22 =	rddreg [dreg:$0x6]  }
0x28: {  	[tilespmem:s6], [sflag:$0x1] =	stream.linear.gather [hbm4b:s22+s4], $0x4000, $0x38;
	[tilespmem:$0x1D200] =	vst v63  }
0x29: {  	s23 =	rddreg [dreg:$0x7]  }
0x2a: {  	[tilespmem:s7], [sflag:$0x2] =	stream.linear.gather [hbm4b:s23+s4], $0x100, $0x38;
	[tilespmem:$0x1D200] =	vst v63  }
0x2b: {  	s26 =	rddreg [dreg:$0x8];
	s19 =	simm.s32 $0x200;
	s18 =	simm.s32 $0x0  }
0x2c: {  	[tilespmem:s8], [sflag:$0x2] =	stream.linear.gather [hbm4b:s26+s4], $0x4000, $0x38;
	[tilespmem:$0x1D200] =	vst v63  }
.LBB2_2:
0x2d: {  	p1 =	sne.s32 s19, $0x4E00;
	[tilespmem:s18+$0x8270] =	vst v0  }
0x2e: {  	[tilespmem:s18+$0x8200] =	vst v0  }
0x2f: {  	[tilespmem:s18+$0x8210] =	vst v0  }
.Ltmp0:
0x30: {  	[tilespmem:s18+$0x8220] =	vst v0;
	(pc) =	sbr.rel @p1 .LBB2_2-.Ltmp0, $4  }
0x31: {  	[tilespmem:s18+$0x8230] =	vst v0  }
0x32: {  	[tilespmem:s18+$0x8240] =	vst v0  }
0x33: {  	[tilespmem:s18+$0x8250] =	vst v0  }
0x34: {  	[tilespmem:s18+$0x8260] =	vst v0;
	s18 =	sshra.s32 s19, $0x2;
	s19 =	sadd.s32 $0x200, s19  }
0x35: {  	[tilespmem:s18+$0x8270] =	vst v0  }
0x36: {  	[tilespmem:s18+$0x8200] =	vst v0  }
0x37: {  	[tilespmem:s18+$0x8210] =	vst v0  }
0x38: {  	[tilespmem:s18+$0x8220] =	vst v0  }
0x39: {  	[tilespmem:s18+$0x8230] =	vst v0  }
0x3a: {  	[tilespmem:s18+$0x8240] =	vst v0  }
0x3b: {  	[tilespmem:s18+$0x8250] =	vst v0  }
0x3c: {  	[tilespmem:s18+$0x8260] =	vst v0  }
0x3d: {  	[spmem:s9] =	stream.linear.scatter [tilespmem:s10], [sflag:$0x3], $0x1400, $0x38;
	[tilespmem:$0x1D200] =	vst v63  }
0x3e: {  	s26 =	rddreg [dreg:$0x9]  }
0x3f: {  	[spmem:s26] =	stream.linear.scatter [tilespmem:s10], [sflag:$0x3], $0x1400, $0x38;
	[tilespmem:$0x1D200] =	vst v63  }
0x40: {  	s19 =	rddreg [dreg:$0xa]  }
0x41: {  	[spmem:s19] =	stream.linear.scatter [tilespmem:s10], [sflag:$0x3], $0x1400, $0x38;
	[tilespmem:$0x1D200] =	vst v63  }
0x42: {  	s20 =	rddreg [dreg:$0xb]  }
0x43: {  	[spmem:s20] =	stream.linear.scatter [tilespmem:s10], [sflag:$0x3], $0x1400, $0x38;
	[tilespmem:$0x1D200] =	vst v63  }
0x44: {  	s22 =	rddreg [dreg:$0xc]  }
0x45: {  	[spmem:s22] =	stream.linear.scatter [tilespmem:s10], [sflag:$0x3], $0x1400, $0x38;
	[tilespmem:$0x1D200] =	vst v63  }
0x46: {  	s23 =	rddreg [dreg:$0xd]  }
0x47: {  	[spmem:s23] =	stream.linear.scatter [tilespmem:s10], [sflag:$0x3], $0x1400, $0x38;
	[tilespmem:$0x1D200] =	vst v63  }
0x48: {  	s26 =	rddreg [dreg:$0xe]  }
0x49: {  	[spmem:s26] =	stream.linear.scatter [tilespmem:s10], [sflag:$0x3], $0x1400, $0x38;
	[tilespmem:$0x1D200] =	vst v63  }
0x4a: {  	s19 =	rddreg [dreg:$0x11]  }
0x4b: {  	[spmem:s19] =	stream.linear.scatter [tilespmem:s10], [sflag:$0x3], $0x1400, $0x38;
	[tilespmem:$0x1D200] =	vst v63  }
0x4c: {  	s20 =	rddreg [dreg:$0x16]  }
0x4d: {  	[spmem:s20] =	stream.linear.scatter [tilespmem:s10], [sflag:$0x3], $0x1400, $0x38;
	[tilespmem:$0x1D200] =	vst v63  }
0x4e: {  	_ = 	snop  }
0x4f: {  	[spmem:s28] =	stream.linear.scatter [tilespmem:s10], [sflag:$0x3], $0x1400, $0x38;
	[tilespmem:$0x1D200] =	vst v63  }
0x50: {  	_ = 	snop  }
0x51: {  	[spmem:s29] =	stream.linear.scatter [tilespmem:s10], [sflag:$0x3], $0x1400, $0x38;
	[tilespmem:$0x1D200] =	vst v63  }
0x52: {  	_ = 	snop  }
0x53: {  	[spmem:s30] =	stream.linear.scatter [tilespmem:s10], [sflag:$0x3], $0x1400, $0x38;
	[tilespmem:$0x1D200] =	vst v63  }
0x54: {  	_ = 	snop  }
0x55: {  	[spmem:s31] =	stream.linear.scatter [tilespmem:s10], [sflag:$0x3], $0x1400, $0x38;
	[tilespmem:$0x1D200] =	vst v63  }
0x56: {  	_ = 	snop  }
0x57: {  	[spmem:s0] =	stream.linear.scatter [tilespmem:s10], [sflag:$0x3], $0x1400, $0x38;
	[tilespmem:$0x1D200] =	vst v63  }
0x58: {  	_ = 	snop  }
0x59: {  	[spmem:s2] =	stream.linear.scatter [tilespmem:s10], [sflag:$0x3], $0x1400, $0x38;
	[tilespmem:$0x1D200] =	vst v63  }
0x5a: {  	_ = 	snop  }
0x5b: {  	[spmem:s5] =	stream.linear.scatter [tilespmem:s10], [sflag:$0x3], $0x1000, $0x38;
	[tilespmem:$0x1D200] =	vst v63  }
0x5c: {  	_ =	swait.ge [sflag:s11], $0x1400  }
0x5d: {  	[sflag:s11] =	ssyncset.done $0x0  }
0x5e: {  	[sflag:s11] =	ssyncadd.s32 $0xFFFFEC00  }
0x5f: {  	_ =	swait.ge [sflag:s11], $0x1400  }
0x60: {  	[sflag:s11] =	ssyncset.done $0x0  }
0x61: {  	[sflag:s11] =	ssyncadd.s32 $0xFFFFEC00  }
0x62: {  	_ =	swait.ge [sflag:s11], $0x1400  }
0x63: {  	[sflag:s11] =	ssyncset.done $0x0  }
0x64: {  	[sflag:s11] =	ssyncadd.s32 $0xFFFFEC00  }
0x65: {  	_ =	swait.ge [sflag:s11], $0x1400  }
0x66: {  	[sflag:s11] =	ssyncset.done $0x0  }
0x67: {  	[sflag:s11] =	ssyncadd.s32 $0xFFFFEC00  }
0x68: {  	_ =	swait.ge [sflag:s11], $0x1400  }
0x69: {  	[sflag:s11] =	ssyncset.done $0x0  }
0x6a: {  	[sflag:s11] =	ssyncadd.s32 $0xFFFFEC00  }
0x6b: {  	_ =	swait.ge [sflag:s11], $0x1400  }
0x6c: {  	[sflag:s11] =	ssyncset.done $0x0  }
0x6d: {  	[sflag:s11] =	ssyncadd.s32 $0xFFFFEC00  }
0x6e: {  	_ =	swait.ge [sflag:s11], $0x1400  }
0x6f: {  	[sflag:s11] =	ssyncset.done $0x0  }
0x70: {  	[sflag:s11] =	ssyncadd.s32 $0xFFFFEC00  }
0x71: {  	_ =	swait.ge [sflag:s11], $0x1400  }
0x72: {  	[sflag:s11] =	ssyncset.done $0x0  }
0x73: {  	[sflag:s11] =	ssyncadd.s32 $0xFFFFEC00  }
0x74: {  	_ =	swait.ge [sflag:s11], $0x1400  }
0x75: {  	[sflag:s11] =	ssyncset.done $0x0  }
0x76: {  	[sflag:s11] =	ssyncadd.s32 $0xFFFFEC00  }
0x77: {  	_ =	swait.ge [sflag:s11], $0x1400  }
0x78: {  	[sflag:s11] =	ssyncset.done $0x0  }
0x79: {  	[sflag:s11] =	ssyncadd.s32 $0xFFFFEC00  }
0x7a: {  	_ =	swait.ge [sflag:s11], $0x1400  }
0x7b: {  	[sflag:s11] =	ssyncset.done $0x0  }
0x7c: {  	[sflag:s11] =	ssyncadd.s32 $0xFFFFEC00  }
0x7d: {  	_ =	swait.ge [sflag:s11], $0x1400  }
0x7e: {  	[sflag:s11] =	ssyncset.done $0x0  }
0x7f: {  	[sflag:s11] =	ssyncadd.s32 $0xFFFFEC00  }
0x80: {  	_ =	swait.ge [sflag:s11], $0x1400  }
0x81: {  	[sflag:s11] =	ssyncset.done $0x0  }
0x82: {  	[sflag:s11] =	ssyncadd.s32 $0xFFFFEC00  }
0x83: {  	_ =	swait.ge [sflag:s11], $0x1400  }
0x84: {  	[sflag:s11] =	ssyncset.done $0x0  }
0x85: {  	[sflag:s11] =	ssyncadd.s32 $0xFFFFEC00  }
0x86: {  	_ =	swait.ge [sflag:s11], $0x1400  }
0x87: {  	[sflag:s11] =	ssyncset.done $0x0  }
0x88: {  	[sflag:s11] =	ssyncadd.s32 $0xFFFFEC00  }
0x89: {  	_ =	swait.ge [sflag:s11], $0x1000  }
0x8a: {  	[sflag:s11] =	ssyncset.done $0x0  }
0x8b: {  	[sflag:s11] =	ssyncadd.s32 $0xFFFFF000  }
0x8c: {  	[bflag:$0x0] =	sbarrier.arrive $0xFFFF  }
0x8d: {  	_ =	swait.ge [sflag:s12], $0x100  }
0x8e: {  	[sflag:s12] =	ssyncset.done $0x0  }
0x8f: {  	[sflag:s12] =	ssyncadd.s32 $0xFFFFFF00  }
0x90: {  	_ =	swait.ge [sflag:s12], $0x4000  }
0x91: {  	[sflag:s12] =	ssyncset.done $0x0  }
0x92: {  	[sflag:s12] =	ssyncadd.s32 $0xFFFFC000  }
0x93: {  	[spmem:s3] =	stream.indirect.scatter.add.f32 [tilespmem:s6], [sflag:$0x4], $0x80, s13, s13, $0xb8;
	[tilespmem:$0x1D200] =	vst v63  }
0x94: {  	_ =	swait.ge [sflag:s14], $0x4000  }
0x95: {  	s22 =	sshrl.u32 s25, $0x2;
	[sflag:s14] =	ssyncset.done $0x0  }
0x96: {  	s18 =	sadd.s32 s1, s22;
	[sflag:s14] =	ssyncadd.s32 $0xFFFFC000  }
0x97: {  	[tilespmem:s4], [sflag:$0x1] =	stream.linear.gather [hbm4b:s18+s4], $0x100, $0x38;
	[tilespmem:$0x1D200] =	vst v63  }
0x98: {  	s23 =	sadd.s32 $0xFFFF0000, s21  }
0x99: {  	[tilespmem:s6], [sflag:$0x1] =	stream.linear.gather [hbm4b:s23+s4], $0x4000, $0x38;
	[tilespmem:$0x1D200] =	vst v63  }
0x9a: {  	_ =	swait.ge [sflag:s15], $0x100  }
0x9b: {  	[sflag:s15] =	ssyncset.done $0x0  }
0x9c: {  	[sflag:s15] =	ssyncadd.s32 $0xFFFFFF00  }
0x9d: {  	_ =	swait.ge [sflag:s15], $0x4000  }
0x9e: {  	[sflag:s15] =	ssyncset.done $0x0  }
0x9f: {  	[sflag:s15] =	ssyncadd.s32 $0xFFFFC000  }
0xa0: {  	[spmem:s3] =	stream.indirect.scatter.add.f32 [tilespmem:s8], [sflag:$0x4], $0x80, s16, s13, $0xb8;
	[tilespmem:$0x1D200] =	vst v63  }
0xa1: {  	s26 =	sadd.s32 $0x0, s24;
	_ =	swait.ge [sflag:s14], $0x4000  }
0xa2: {  	s19 =	sadd.s32 $0x20000, s21;
	s20 =	sadd.s32 $0x2000, s25;
	[sflag:s14] =	ssyncset.done $0x0  }
0xa3: {  	s18 =	simm.s32 $0x800;
	s23 =	smov.u32 s21;
	[sflag:s14] =	ssyncadd.s32 $0xFFFFC000  }
0xa4: {  	[tilespmem:s7], [sflag:$0x2] =	stream.linear.gather [hbm4b:s26+s4], $0x100, $0x38;
	[tilespmem:$0x1D200] =	vst v63  }
.LBB2_4:
0xa5: {  	[tilespmem:s8], [sflag:$0x2] =	stream.linear.gather [hbm4b:s23+s4], $0x4000, $0x38;
	[tilespmem:$0x1D200] =	vst v63  }
0xa6: {  	s22 =	smov.u32 s18;
	s23 =	smov.u32 s19  }
0xa7: {  	p1 =	sne.s32 s18, $0x8800;
	s18 =	sadd.s32 $0x800, s18;
	_ =	swait.ge [sflag:s12], $0x100  }
0xa8: {  	[sflag:s12] =	ssyncset.done $0x0  }
0xa9: {  	[sflag:s12] =	ssyncadd.s32 $0xFFFFFF00  }
0xaa: {  	_ =	swait.ge [sflag:s12], $0x4000  }
0xab: {  	[sflag:s12] =	ssyncset.done $0x0  }
0xac: {  	[sflag:s12] =	ssyncadd.s32 $0xFFFFC000  }
0xad: {  	[spmem:s3] =	stream.indirect.scatter.add.f32 [tilespmem:s6], [sflag:$0x4], $0x80, s13, s13, $0xb8;
	[tilespmem:$0x1D200] =	vst v63  }
0xae: {  	_ =	swait.ge [sflag:s14], $0x4000  }
0xaf: {  	s26 =	sshrl.u32 s20, $0x2;
	[sflag:s14] =	ssyncset.done $0x0  }
0xb0: {  	s26 =	sadd.s32 s1, s26;
	[sflag:s14] =	ssyncadd.s32 $0xFFFFC000  }
0xb1: {  	[tilespmem:s4], [sflag:$0x1] =	stream.linear.gather [hbm4b:s26+s4], $0x100, $0x38;
	[tilespmem:$0x1D200] =	vst v63  }
0xb2: {  	s26 =	sadd.s32 $0xFFFF0000, s19  }
0xb3: {  	[tilespmem:s6], [sflag:$0x1] =	stream.linear.gather [hbm4b:s26+s4], $0x4000, $0x38;
	[tilespmem:$0x1D200] =	vst v63  }
0xb4: {  	_ =	swait.ge [sflag:s15], $0x100  }
0xb5: {  	[sflag:s15] =	ssyncset.done $0x0  }
0xb6: {  	[sflag:s15] =	ssyncadd.s32 $0xFFFFFF00  }
0xb7: {  	_ =	swait.ge [sflag:s15], $0x4000  }
0xb8: {  	[sflag:s15] =	ssyncset.done $0x0  }
0xb9: {  	[sflag:s15] =	ssyncadd.s32 $0xFFFFC000  }
0xba: {  	[spmem:s3] =	stream.indirect.scatter.add.f32 [tilespmem:s8], [sflag:$0x4], $0x80, s16, s13, $0xb8;
	[tilespmem:$0x1D200] =	vst v63  }
.Ltmp1:
0xbb: {  	_ =	swait.ge [sflag:s14], $0x4000;
	(pc) =	sbr.rel @p1 .LBB2_4-.Ltmp1, $4  }
0xbc: {  	[sflag:s14] =	ssyncset.done $0x0  }
0xbd: {  	s22 =	sadd.s32 s22, s24;
	[sflag:s14] =	ssyncadd.s32 $0xFFFFC000  }
0xbe: {  	[tilespmem:s7], [sflag:$0x2] =	stream.linear.gather [hbm4b:s22+s4], $0x100, $0x38;
	[tilespmem:$0x1D200] =	vst v63  }
0xbf: {  	s20 =	sadd.s32 $0x2000, s20;
	s19 =	sadd.s32 $0x20000, s19  }
0xc0: {  	[tilespmem:s8], [sflag:$0x2] =	stream.linear.gather [hbm4b:s23+s4], $0x4000, $0x38;
	[tilespmem:$0x1D200] =	vst v63  }
0xc1: {  	_ =	swait.ge [sflag:s12], $0x100  }
0xc2: {  	[sflag:s12] =	ssyncset.done $0x0  }
0xc3: {  	[sflag:s12] =	ssyncadd.s32 $0xFFFFFF00  }
0xc4: {  	_ =	swait.ge [sflag:s12], $0x4000  }
0xc5: {  	[sflag:s12] =	ssyncset.done $0x0  }
0xc6: {  	[sflag:s12] =	ssyncadd.s32 $0xFFFFC000  }
0xc7: {  	[spmem:s3] =	stream.indirect.scatter.add.f32 [tilespmem:s6], [sflag:$0x4], $0x80, s13, s13, $0xb8;
	[tilespmem:$0x1D200] =	vst v63  }
0xc8: {  	_ =	swait.ge [sflag:s14], $0x4000  }
0xc9: {  	[sflag:s14] =	ssyncset.done $0x0  }
0xca: {  	s18 =	rddreg [dreg:$0x15];
	[sflag:s14] =	ssyncadd.s32 $0xFFFFC000  }
0xcb: {  	[tilespmem:s4], [sflag:$0x1] =	stream.linear.gather [hbm4b:s18+s4], $0x100, $0x38;
	[tilespmem:$0x1D200] =	vst v63  }
0xcc: {  	s19 =	rddreg [dreg:$0x10]  }
0xcd: {  	[tilespmem:s6], [sflag:$0x1] =	stream.linear.gather [hbm4b:s19+s4], $0x4000, $0x38;
	[tilespmem:$0x1D200] =	vst v63  }
0xce: {  	_ =	swait.ge [sflag:s15], $0x100  }
0xcf: {  	[sflag:s15] =	ssyncset.done $0x0  }
0xd0: {  	[sflag:s15] =	ssyncadd.s32 $0xFFFFFF00  }
0xd1: {  	_ =	swait.ge [sflag:s15], $0x4000  }
0xd2: {  	[sflag:s15] =	ssyncset.done $0x0  }
0xd3: {  	[sflag:s15] =	ssyncadd.s32 $0xFFFFC000  }
0xd4: {  	[spmem:s3] =	stream.indirect.scatter.add.f32 [tilespmem:s8], [sflag:$0x4], $0x80, s16, s13, $0xb8;
	[tilespmem:$0x1D200] =	vst v63  }
0xd5: {  	_ =	swait.ge [sflag:s14], $0x4000  }
0xd6: {  	[sflag:s14] =	ssyncset.done $0x0  }
0xd7: {  	s18 =	simm.s32 @p0 $0x1;
	[sflag:s14] =	ssyncadd.s32 $0xFFFFC000  }
0xd8: {  	_ =	swait.ge @p0 [sflag:s18], $0x100  }
0xd9: {  	[sflag:s18] =	ssyncset.done @p0 $0x0  }
0xda: {  	[sflag:s18] =	ssyncadd.s32 @p0 $0xFFFFFF00  }
0xdb: {  	_ =	swait.ge @p0 [sflag:s18], $0x4000  }
0xdc: {  	[sflag:s18] =	ssyncset.done @p0 $0x0  }
0xdd: {  	s19 =	simm.s32 @p0 $0x200;
	[sflag:s18] =	ssyncadd.s32 @p0 $0xFFFFC000;
	s18 =	simm.s32 @p0 $0x80  }
0xde: {  	[spmem:s3] =	stream.indirect.scatter.add.f32 @p0 [tilespmem:s19], [sflag:$0x4], $0x80, s18, s18, $0xb8;
	[tilespmem:$0x1D200] =	vst v63  }
0xdf: {  	s20 =	rddreg [dreg:$0x12];
	s18 =	simm.s32 @!p0 $0x0;
	s19 =	simm.s32 @!p0 $0x100  }
0xe0: {  	[tilespmem:s19], [sflag:$0x2] =	stream.linear.gather @!p0 [hbm4b:s20+s18], $0x100, $0x38;
	[tilespmem:$0x1D200] =	vst v63  }
0xe1: {  	s19 =	simm.s32 @!p0 $0x4200;
	s20 =	rddreg [dreg:$0xf]  }
0xe2: {  	[tilespmem:s19], [sflag:$0x2] =	stream.linear.gather @!p0 [hbm4b:s20+s18], $0x4000, $0x38;
	[tilespmem:$0x1D200] =	vst v63  }
0xe3: {  	s18 =	simm.s32 @!p0 $0x1  }
0xe4: {  	_ =	swait.ge @!p0 [sflag:s18], $0x100  }
0xe5: {  	[sflag:s18] =	ssyncset.done @!p0 $0x0  }
0xe6: {  	[sflag:s18] =	ssyncadd.s32 @!p0 $0xFFFFFF00  }
0xe7: {  	_ =	swait.ge @!p0 [sflag:s18], $0x4000  }
0xe8: {  	[sflag:s18] =	ssyncset.done @!p0 $0x0  }
0xe9: {  	s20 =	simm.s32 @!p0 $0x200;
	[sflag:s18] =	ssyncadd.s32 @!p0 $0xFFFFC000;
	s18 =	simm.s32 @!p0 $0x80  }
0xea: {  	[spmem:s3] =	stream.indirect.scatter.add.f32 @!p0 [tilespmem:s20], [sflag:$0x4], $0x80, s18, s18, $0xb8;
	[tilespmem:$0x1D200] =	vst v63  }
0xeb: {  	s20 =	simm.s32 @!p0 $0x4  }
0xec: {  	_ =	swait.ge @!p0 [sflag:s20], $0x4000  }
0xed: {  	[sflag:s20] =	ssyncset.done @!p0 $0x0  }
0xee: {  	[sflag:s20] =	ssyncadd.s32 @!p0 $0xFFFFC000;
	s20 =	simm.s32 @!p0 $0x2  }
0xef: {  	_ =	swait.ge @!p0 [sflag:s20], $0x100  }
0xf0: {  	[sflag:s20] =	ssyncset.done @!p0 $0x0  }
0xf1: {  	[sflag:s20] =	ssyncadd.s32 @!p0 $0xFFFFFF00  }
0xf2: {  	_ =	swait.ge @!p0 [sflag:s20], $0x4000  }
0xf3: {  	[sflag:s20] =	ssyncset.done @!p0 $0x0  }
0xf4: {  	[sflag:s20] =	ssyncadd.s32 @!p0 $0xFFFFC000;
	s20 =	simm.s32 @!p0 $0x180  }
0xf5: {  	[spmem:s3] =	stream.indirect.scatter.add.f32 @!p0 [tilespmem:s19], [sflag:$0x4], $0x80, s20, s18, $0xb8;
	[tilespmem:$0x1D200] =	vst v63  }
0xf6: {  	_ =	swait.ge [sflag:s14], $0x4000  }
0xf7: {  	[sflag:s14] =	ssyncset.done $0x0  }
0xf8: {  	s20 =	stileid.u32;
	[sflag:s14] =	ssyncadd.s32 $0xFFFFC000  }
0xf9: {  	s18 =	sshll.u32 s20, $0x6;
	[bflag:$0x0] =	sbarrier.arrive $0xFFFF  }
0xfa: {  	s22 =	sshrl.u32 s9, $0x3;
	s18 =	sor.u32 $0x1C04, s18;
	s23 =	rddreg [dreg:$0x13]  }
0xfb: {  	[hbm:s23], [sflag:s18] =	dma.local [spmem:s22], $0x2780  }
0xfc: {  	_ =	swait.ge [sflag:s14], $0x2780  }
0xfd: {  	s17 =	sadd.s32 $0x1, s17;
	s26 =	rddreg [dreg:$0x14]  }
0xfe: {  	p1 =	sne.s32 s17, s26  }
.Ltmp2:
0xff: {  	_ = 	snop;
	(pc) =	sbr.rel @p1 .LBB2_1-.Ltmp2, $3  }
0x100: {  	_ =	sdelay $0x1  }
0x101: {  	[sflag:s14] =	ssyncset.done $0x0  }
0x102: {  	[sflag:s14] =	ssyncadd.s32 $0xFFFFD880  }
0x103: {  	_ =	sfence.sel $0x180000  }
0x104: {  	[bflag:$0x0] =	sbarrier.arrive $0xFFFF  }
0x105: {  	_ =	strace $0x90000047  }
0x106: {  	s0 =	stileid.u32;
	[bflag:$0x2] =	sbarrier.arrive $0xFFFF  }
0x107: {  	p0 =	sne.s32 s0, $0x0;
	s0 =	rddreg [dreg:$0x4]  }
0x108: {  	s0 =	sadd.s32 @!p0 $0x100000, s0  }
0x109: {  	[sflag:s0] =	ssyncadd.tile.s32 @!p0 $0x1;
	_ =	shalt  }
.Lfunc_end2:
_tile_overlayer_lowered:
.L_overlay_start_2:
0x10a: {  	(tag) =	ssettag $0x2  }
0x10b: {  	s0 =	rddreg [dreg:$0x0];
	s2 =	stileid.u32  }
0x10c: {  	s1 =	rddreg [dreg:$0x1];
	p0 =	sne.s32 s2, $0x0  }
0x10d: {  	s3 =	rddreg [dreg:$0x2];
	[bflag:$0x3] =	sbarrier.arrive $0xFFFF;
	s2 =	simm.s32 @!p0 $0x1C04  }
0x10e: {  	[timem:s3], [sflag:s2] =	dma.local @!p0 [hbm:s0], s1  }
0x10f: {  	s0 =	simm.s32 @!p0 $0x4  }
0x110: {  	_ =	swait.ge @!p0 [sflag:s0], s1  }
0x111: {  	s1 =	ssub.s32 @!p0 $0x0, s1;
	[sflag:s0] =	ssyncset.done @!p0 $0x0  }
0x112: {  	[sflag:s0] =	ssyncadd.s32 @!p0 s1  }
0x113: {  	[bflag:$0x3] =	sbarrier.arrive $0xFFFF  }
0x114: {  	_ =	shalt  }

</sc_bundles>
